<compile_context>
chip_gen: v7x
topology: tpu7x:2x2x1
jax: 0.10.2.dev20260603
libtpu: 0.0.44.dev20260713+nightly
codegen_flags: <defaults>
</compile_context>

<pallas_src>
import functools

import jax
import jax.numpy as jnp
from jax import lax
from jax.experimental import pallas as pl
from jax.experimental.pallas import tpu as pltpu
from jax.experimental.pallas import tpu_sc as plsc

N = 10000
E = 320000
NC, NS = 2, 16
D = 128
CD = D // NC
NP = 10240
NPT = NP // NS

EPT = E // NS
K = 80
NCH = EPT // K
SUP = 50
NSUP = NCH // SUP

DD = 8
EPTD = E // (NC * NS)
KD = 80
NCHD = EPTD // KD
SUPD = 5
NSUPD = NCHD // SUPD

ROWS_B = 1000
GRID = N // ROWS_B

_SC_PARAMS = pltpu.CompilerParams(use_tc_tiling_on_sc=False)


def _sc_mesh():
    return plsc.VectorSubcoreMesh(core_axis_name="c", subcore_axis_name="s",
                                  num_cores=NC, num_subcores=NS)


@functools.cache
def _make_deg_sc():
    return functools.partial(
        pl.kernel,
        out_type=jax.ShapeDtypeStruct((NC, NP, DD), jnp.float32),
        mesh=_sc_mesh(),
        scratch_types=[
            pltpu.VMEM((SUPD, KD), jnp.int32),
            pltpu.VMEM((KD, DD), jnp.float32),
            pltpu.VMEM_SHARED((NP, DD), jnp.float32),
        ],
        compiler_params=_SC_PARAMS,
    )(_deg_body)


def _deg_sc(dst_deg):
    ones = jnp.ones((KD, DD), jnp.float32)
    zeros = jnp.zeros((NPT, DD), jnp.float32)
    return _make_deg_sc()(dst_deg, ones, zeros)


def _deg_body(dst_hbm, ones_hbm, zeros_hbm, out_hbm, dst_v, ones_v, acc_sh):
    cid = lax.axis_index("c")
    sid = lax.axis_index("s")
    wid = cid * NS + sid
    pltpu.sync_copy(ones_hbm, ones_v)
    pltpu.sync_copy(zeros_hbm, acc_sh.at[pl.ds(sid * NPT, NPT)])
    plsc.subcore_barrier()

    def outer(s, carry):
        pltpu.sync_copy(dst_hbm.at[wid, pl.ds(s * SUPD, SUPD)], dst_v)

        def body(j, c2):
            pltpu.sync_copy(ones_v, acc_sh.at[dst_v.at[j]], add=True)
            return c2

        return lax.fori_loop(0, SUPD, body, carry)

    lax.fori_loop(0, NSUPD, outer, 0)
    plsc.subcore_barrier()
    pltpu.sync_copy(acc_sh.at[pl.ds(sid * NPT, NPT)],
                    out_hbm.at[cid, pl.ds(sid * NPT, NPT)])


@functools.cache
def _make_prop_sc():
    return functools.partial(
        pl.kernel,
        out_type=jax.ShapeDtypeStruct((NC, NP, CD), jnp.float32),
        mesh=_sc_mesh(),
        scratch_types=[
            pltpu.VMEM((SUP, K), jnp.int32),
            pltpu.VMEM((SUP, K), jnp.int32),
            pltpu.VMEM((K, CD), jnp.float32),
            pltpu.VMEM((K, CD), jnp.float32),
            pltpu.VMEM_SHARED((NP, CD), jnp.float32),
            pltpu.SemaphoreType.DMA,
            pltpu.SemaphoreType.DMA,
        ],
        compiler_params=_SC_PARAMS,
    )(_prop_body)


def _prop_sc(table, src2, dst):
    zeros = jnp.zeros((NPT, CD), jnp.float32)
    return _make_prop_sc()(table.reshape(NC * N, CD), src2, dst, zeros)


def _prop_body(table_hbm, src_hbm, dst_hbm, zeros_hbm, out_hbm,
               src_v, dst_v, rows_a, rows_b, acc_sh, sem_a, sem_b):
    cid = lax.axis_index("c")
    sid = lax.axis_index("s")
    pltpu.sync_copy(zeros_hbm, acc_sh.at[pl.ds(sid * NPT, NPT)])
    plsc.subcore_barrier()

    def outer(s, carry):
        pltpu.sync_copy(src_hbm.at[cid, sid, pl.ds(s * SUP, SUP)], src_v)
        pltpu.sync_copy(dst_hbm.at[sid, pl.ds(s * SUP, SUP)], dst_v)
        pltpu.async_copy(table_hbm.at[src_v.at[0]], rows_a, sem_a)

        def pair(jj, c2):
            j0 = 2 * jj
            pltpu.make_async_copy(table_hbm.at[src_v.at[j0]],
                                  rows_a, sem_a).wait()
            pltpu.async_copy(table_hbm.at[src_v.at[j0 + 1]], rows_b, sem_b)
            pltpu.sync_copy(rows_a, acc_sh.at[dst_v.at[j0]], add=True)
            pltpu.make_async_copy(table_hbm.at[src_v.at[j0 + 1]],
                                  rows_b, sem_b).wait()

            @pl.when(jj < SUP // 2 - 1)
            def _start_next():
                pltpu.async_copy(table_hbm.at[src_v.at[j0 + 2]],
                                 rows_a, sem_a)

            pltpu.sync_copy(rows_b, acc_sh.at[dst_v.at[j0 + 1]], add=True)
            return c2

        return lax.fori_loop(0, SUP // 2, pair, carry)

    lax.fori_loop(0, NSUP, outer, 0)
    plsc.subcore_barrier()
    pltpu.sync_copy(acc_sh.at[pl.ds(sid * NPT, NPT)],
                    out_hbm.at[cid, pl.ds(sid * NPT, NPT)])


def _split(v, out_ref):
    out_ref[0] = v[:, :CD]
    out_ref[1] = v[:, CD:]


def _cat(ref):
    return jnp.concatenate([ref[0], ref[1]], axis=-1)


def _first_body(x_ref, w_ref, degp_ref, t_ref, dinv_ref):
    deg = 1.0 + sum(degp_ref[i] for i in range(NC))
    dinv = lax.rsqrt(deg)
    dinv_ref[...] = dinv
    z = jnp.dot(x_ref[...], w_ref[...], preferred_element_type=jnp.float32)
    _split(z * dinv[:, :1], t_ref)


def _tc_first(x, w1p, degp):
    return pl.pallas_call(
        _first_body,
        grid=(GRID,),
        in_specs=[
            pl.BlockSpec((ROWS_B, 128), lambda i: (i, 0)),
            pl.BlockSpec((128, D), lambda i: (0, 0)),
            pl.BlockSpec((NC, ROWS_B, DD), lambda i: (0, i, 0)),
        ],
        out_specs=[
            pl.BlockSpec((NC, ROWS_B, CD), lambda i: (0, i, 0)),
            pl.BlockSpec((ROWS_B, DD), lambda i: (i, 0)),
        ],
        out_shape=[
            jax.ShapeDtypeStruct((NC, N, CD), jnp.float32),
            jax.ShapeDtypeStruct((N, DD), jnp.float32),
        ],
    )(x, w1p, degp)


def _mid_body(q_ref, t_ref, dinv_ref, w_ref, p_ref, out_ref):
    dinv = dinv_ref[...][:, :1]
    pp = p_ref[...]
    z = (_cat(q_ref) + _cat(t_ref)) * dinv + pp[0:1]
    h = jnp.maximum(z, 0.0)
    h = (h - pp[3:4]) * lax.rsqrt(pp[4:5] + 1e-5) * pp[1:2] + pp[2:3]
    t2 = jnp.dot(h, w_ref[...], preferred_element_type=jnp.float32)
    _split(t2 * dinv, out_ref)


def _tc_mid(q, t, dinv, w, p):
    return pl.pallas_call(
        _mid_body,
        grid=(GRID,),
        in_specs=[
            pl.BlockSpec((NC, ROWS_B, CD), lambda i: (0, i, 0)),
            pl.BlockSpec((NC, ROWS_B, CD), lambda i: (0, i, 0)),
            pl.BlockSpec((ROWS_B, DD), lambda i: (i, 0)),
            pl.BlockSpec((D, D), lambda i: (0, 0)),
            pl.BlockSpec((8, D), lambda i: (0, 0)),
        ],
        out_specs=pl.BlockSpec((NC, ROWS_B, CD), lambda i: (0, i, 0)),
        out_shape=jax.ShapeDtypeStruct((NC, N, CD), jnp.float32),
    )(q, t, dinv, w, p)


def _head_body(q_ref, t_ref, dinv_ref, w1_ref, w2_ref, w3_ref, p_ref, out_ref):
    dinv = dinv_ref[...][:, :1]
    pp = p_ref[...]
    z = (_cat(q_ref) + _cat(t_ref)) * dinv + pp[0:1]
    h = jnp.maximum(z, 0.0)
    h = (h - pp[3:4]) * lax.rsqrt(pp[4:5] + 1e-5) * pp[1:2] + pp[2:3]
    u = jnp.dot(h, w1_ref[...], preferred_element_type=jnp.float32) + pp[5:6]
    u = (u - pp[8:9]) * lax.rsqrt(pp[9:10] + 1e-5) * pp[6:7] + pp[7:8]
    u = jnp.maximum(u, 0.0)
    v = jnp.dot(u, w2_ref[...], preferred_element_type=jnp.float32) + pp[10:11]
    v = (v - pp[13:14]) * lax.rsqrt(pp[14:15] + 1e-5) * pp[11:12] + pp[12:13]
    v = jnp.maximum(v, 0.0)
    y = jnp.dot(v, w3_ref[...], preferred_element_type=jnp.float32) + pp[15:16, :8]
    out_ref[...] = y


def _tc_head(q, t, dinv, w1, w2, w3, p):
    return pl.pallas_call(
        _head_body,
        grid=(GRID,),
        in_specs=[
            pl.BlockSpec((NC, ROWS_B, CD), lambda i: (0, i, 0)),
            pl.BlockSpec((NC, ROWS_B, CD), lambda i: (0, i, 0)),
            pl.BlockSpec((ROWS_B, DD), lambda i: (i, 0)),
            pl.BlockSpec((D, D), lambda i: (0, 0)),
            pl.BlockSpec((D, D), lambda i: (0, 0)),
            pl.BlockSpec((D, 8), lambda i: (0, 0)),
            pl.BlockSpec((16, D), lambda i: (0, 0)),
        ],
        out_specs=pl.BlockSpec((ROWS_B, 8), lambda i: (i, 0)),
        out_shape=jax.ShapeDtypeStruct((N, 8), jnp.float32),
    )(q, t, dinv, w1, w2, w3, p)


def _padv(v, val=0.0):
    return jnp.pad(v.astype(jnp.float32), (0, D - v.shape[0]),
                   constant_values=val)


def _padm(w, rows=D, cols=D):
    return jnp.pad(w.astype(jnp.float32),
                   ((0, rows - w.shape[0]), (0, cols - w.shape[1])))


def kernel(x, edge_index, params):
    src = edge_index[0].astype(jnp.int32).reshape(NS, NCH, K)
    src2 = jnp.stack([src, src + N])
    dst = edge_index[1].astype(jnp.int32).reshape(NS, NCH, K)
    dst_deg = edge_index[1].astype(jnp.int32).reshape(NC * NS, NCHD, KD)

    w1p = _padm(params['W1'], 128, D)
    wsp = [_padm(params['Ws'][i]) for i in range(3)]
    one = jnp.ones((0,), jnp.float32)
    zero = jnp.zeros((0,), jnp.float32)
    ident = [_padv(one, 1.0), _padv(zero), _padv(zero),
             _padv(one, 1.0 - 1e-5)]
    bn1 = [_padv(params['bn1_g'], 1.0), _padv(params['bn1_b']),
           _padv(params['bn1_m']), _padv(params['bn1_v'], 1.0 - 1e-5)]
    bn2 = [_padv(params['bn2_g'], 1.0), _padv(params['bn2_b']),
           _padv(params['bn2_m']), _padv(params['bn2_v'], 1.0 - 1e-5)]
    bn3 = [_padv(params['bn3_g'], 1.0), _padv(params['bn3_b']),
           _padv(params['bn3_m']), _padv(params['bn3_v'], 1.0 - 1e-5)]

    def pack(rows, total):
        z = jnp.zeros((total - len(rows), D), jnp.float32)
        return jnp.concatenate([jnp.stack(rows), z], axis=0)

    p_mid0 = pack([_padv(params['b1'])] + ident, 8)
    p_mid1 = pack([_padv(params['bs'][0])] + bn1, 8)
    p_mid2 = pack([_padv(params['bs'][1])] + bn1, 8)
    p_head = jnp.stack(
        [_padv(params['bs'][2])] + bn1 +
        [_padv(params['fc1_b'])] + bn2 +
        [_padv(params['fc2_b'])] + bn3 +
        [jnp.full((D,), params['fc3_b'][0], jnp.float32)])
    wf1 = _padm(params['fc1_W'])
    wf2 = _padm(params['fc2_W'])
    wf3 = _padm(params['fc3_W'], D, 8)

    degp = _deg_sc(dst_deg)
    t0, dinv = _tc_first(x, w1p, degp)

    w_stack = jnp.stack([wsp[0], wsp[1], wsp[2], wsp[2]])
    p_stack = jnp.stack([p_mid0, p_mid1, p_mid2, p_mid2])

    def body(carry, xs):
        _, t, _ = carry
        w, p = xs
        q = _prop_sc(t, src2, dst)
        t_new = _tc_mid(q, t, dinv, w, p)
        return (t, t_new, q), None

    q0 = jnp.zeros((NC, NP, CD), jnp.float32)
    (t3, _, q3), _ = lax.scan(body, (t0, t0, q0), (w_stack, p_stack))
    y = _tc_head(q3, t3, dinv, wf1, wf2, wf3, p_head)
    return y[:, :1]

# --- scband reference (transcript-rebuilt; emitter-appended) ---
"""Pipeline reference for scband-net6-81595788689559 (READ-ONLY COPY).

The authoritative reference and input builder live on the scoring server;
editing this copy changes nothing except your own understanding.
"""

import jax, jax.numpy as jnp
import numpy as np

N_NODES = 10000
N_EDGES = 320000
D_IN = 128
D1, D2, D3 = 90, 80, 50
NUM_LAYERS = 4


def setup_inputs(seed: int = 0) -> dict:
    key = jax.random.key(seed)
    ks = jax.random.split(key, 32)
    x = jax.random.normal(ks[0], (N_NODES, D_IN), dtype=jnp.float32)
    edge_index = jax.random.randint(ks[1], (2, N_EDGES), 0, N_NODES, dtype=jnp.int64)
    params = {
        'W1': jax.random.normal(ks[2], (D_IN, D1), dtype=jnp.float32) * 0.05,
        'b1': jnp.zeros((D1,), dtype=jnp.float32),
        'Ws': jax.random.normal(ks[3], (NUM_LAYERS - 1, D1, D1), dtype=jnp.float32) * 0.05,
        'bs': jnp.zeros((NUM_LAYERS - 1, D1), dtype=jnp.float32),
        'bn1_g': jnp.ones((D1,), dtype=jnp.float32),
        'bn1_b': jnp.zeros((D1,), dtype=jnp.float32),
        'bn1_m': jax.random.normal(ks[4], (D1,), dtype=jnp.float32) * 0.1,
        'bn1_v': jax.random.uniform(ks[5], (D1,), minval=0.5, maxval=1.5, dtype=jnp.float32),
        'fc1_W': jax.random.normal(ks[6], (D1, D2), dtype=jnp.float32) * 0.05,
        'fc1_b': jnp.zeros((D2,), dtype=jnp.float32),
        'bn2_g': jnp.ones((D2,), dtype=jnp.float32),
        'bn2_b': jnp.zeros((D2,), dtype=jnp.float32),
        'bn2_m': jax.random.normal(ks[7], (D2,), dtype=jnp.float32) * 0.1,
        'bn2_v': jax.random.uniform(ks[8], (D2,), minval=0.5, maxval=1.5, dtype=jnp.float32),
        'fc2_W': jax.random.normal(ks[9], (D2, D3), dtype=jnp.float32) * 0.05,
        'fc2_b': jnp.zeros((D3,), dtype=jnp.float32),
        'bn3_g': jnp.ones((D3,), dtype=jnp.float32),
        'bn3_b': jnp.zeros((D3,), dtype=jnp.float32),
        'bn3_m': jax.random.normal(ks[10], (D3,), dtype=jnp.float32) * 0.1,
        'bn3_v': jax.random.uniform(ks[11], (D3,), minval=0.5, maxval=1.5, dtype=jnp.float32),
        'fc3_W': jax.random.normal(ks[12], (D3, 1), dtype=jnp.float32) * 0.05,
        'fc3_b': jnp.zeros((1,), dtype=jnp.float32),
    }
    return {'x': x, 'edge_index': edge_index, 'params': params}


def _bn(h, g, b, m, v, eps=1e-5):
    return (h - m) / jnp.sqrt(v + eps) * g + b


def reference(x, edge_index, params):
    N = x.shape[0]
    # GCNConv normalization: add self-loops, symmetric deg^-1/2 norm
    loop = jnp.arange(N, dtype=edge_index.dtype)
    src = jnp.concatenate([edge_index[0], loop])
    dst = jnp.concatenate([edge_index[1], loop])
    deg = jnp.zeros((N,), dtype=x.dtype).at[dst].add(1.0)
    dinv = jnp.where(deg > 0, deg ** -0.5, 0.0)
    norm = dinv[src] * dinv[dst]

    def gcn(h, W, b):
        h = h @ W
        msg = jnp.take(h, src, axis=0) * norm[:, None]
        out = jnp.zeros((N, W.shape[1]), dtype=h.dtype).at[dst].add(msg)
        return out + b

    h = jax.nn.relu(gcn(x, params['W1'], params['b1']))
    for i in range(NUM_LAYERS - 1):
        h = jax.nn.relu(gcn(h, params['Ws'][i], params['bs'][i]))
        h = _bn(h, params['bn1_g'], params['bn1_b'], params['bn1_m'], params['bn1_v'])
        # dropout inactive in eval mode
    h = jax.nn.relu(_bn(h @ params['fc1_W'] + params['fc1_b'], params['bn2_g'], params['bn2_b'], params['bn2_m'], params['bn2_v']))
    h = jax.nn.relu(_bn(h @ params['fc2_W'] + params['fc2_b'], params['bn3_g'], params['bn3_b'], params['bn3_m'], params['bn3_v']))
    return h @ params['fc3_W'] + params['fc3_b']

if __name__ == "__main__":
    import jax
    _d = setup_inputs()
    print(jax.jit(kernel)(*tuple(_d.values())))

</pallas_src>

<mosaic_0001>
#map = affine_map<(d0, d1) -> (0, 0)>
#map1 = affine_map<(d0, d1) -> (0, 0, 0, 0)>
#map2 = affine_map<(d0, d1) -> (0, 0, 0)>
module attributes {stable_mosaic.version = 14 : i64} {
  func.func @_prop_body(%arg0: i32, %arg1: i32, %arg2: memref<20000x64xf32, #tpu.memory_space<hbm>>, %arg3: memref<2x16x250x80xi32, #tpu.memory_space<hbm>>, %arg4: memref<16x250x80xi32, #tpu.memory_space<hbm>>, %arg5: memref<640x64xf32, #tpu.memory_space<hbm>>, %arg6: memref<2x10240x64xf32, #tpu.memory_space<hbm>>, %arg7: memref<50x80xi32, #tpu.memory_space<vmem>>, %arg8: memref<50x80xi32, #tpu.memory_space<vmem>>, %arg9: memref<80x64xf32, #tpu.memory_space<vmem>>, %arg10: memref<80x64xf32, #tpu.memory_space<vmem>>, %arg11: memref<10240x64xf32, #tpu.memory_space<vmem_shared>>, %arg12: memref<!tpu.dma_semaphore, #tpu.memory_space<semaphore_mem>>, %arg13: memref<!tpu.dma_semaphore, #tpu.memory_space<semaphore_mem>>) attributes {dimension_semantics = [#tpu.dimension_semantics<core_parallel>, #tpu.dimension_semantics<subcore_parallel>], iteration_bounds = array<i64: 2, 16>, scalar_prefetch = 0 : i64, scratch_operands = 7 : i64, tpu.core_type = #tpu.core_type<sc_vector_subcore>, window_params = [{transform_indices = #map}, {transform_indices = #map1}, {transform_indices = #map2}, {transform_indices = #map}, {transform_indices = #map2}]} {
    %mul3A = arith.constant 640 : i32
    %mul3A_0 = arith.muli %arg1, %mul3A : i32
    "tpu.region"() ({
      %run_scoped3A = tpu.sem_alloc : memref<!tpu.dma_semaphore, #tpu.memory_space<semaphore_mem>>
      %dma_start3A = arith.constant 0 : i32
      %dma_start3A_11 = tpu.memref_slice %arg11[%mul3A_0, %dma_start3A] : memref<10240x64xf32, #tpu.memory_space<vmem_shared>> -> memref<640x64xf32, #tpu.memory_space<vmem_shared>>
      tpu.enqueue_dma source(%arg5 : memref<640x64xf32, #tpu.memory_space<hbm>>) target(%dma_start3A_11 : memref<640x64xf32, #tpu.memory_space<vmem_shared>>) target_semaphore(%run_scoped3A : memref<!tpu.dma_semaphore, #tpu.memory_space<semaphore_mem>>)
      %dma_wait3A = arith.constant 0 : i32
      %dma_wait3A_12 = tpu.memref_slice %arg11[%mul3A_0, %dma_wait3A] : memref<10240x64xf32, #tpu.memory_space<vmem_shared>> -> memref<640x64xf32, #tpu.memory_space<vmem_shared>>
      tpu.wait_dma2 semaphore(%run_scoped3A : memref<!tpu.dma_semaphore, #tpu.memory_space<semaphore_mem>>) src(%arg5 : memref<640x64xf32, #tpu.memory_space<hbm>>) dst(%dma_wait3A_12 : memref<640x64xf32, #tpu.memory_space<vmem_shared>>)
      tpu.yield
    }) : () -> ()
    %barrier3A = arith.constant 0 : index
    tpu.barrier barrier_id(%barrier3A)
    %scan3A = arith.constant 0 : i32
    %scan3A_1 = arith.constant 0 : i32
    %scan3A_2 = arith.constant 5 : i32
    %scan3A_3 = arith.addi %scan3A_1, %scan3A_2 : i32
    %scan3A_4 = arith.constant 1 : i32
    scf.for %scan3A_11 = %scan3A_1 to %scan3A_3 step %scan3A_4  : i32 {
      %mul3A_12 = arith.constant 50 : i32
      %mul3A_13 = arith.muli %scan3A_11, %mul3A_12 : i32
      "tpu.region"() ({
        %run_scoped3A = tpu.sem_alloc : memref<!tpu.dma_semaphore, #tpu.memory_space<semaphore_mem>>
        %dma_start3A_27 = arith.constant 0 : i32
        %dma_start3A_28 = tpu.memref_slice %arg3[%arg0, %arg1, %mul3A_13, %dma_start3A_27] : memref<2x16x250x80xi32, #tpu.memory_space<hbm>> -> memref<1x1x50x80xi32, #tpu.memory_space<hbm>>
        %dma_start3A_29 = tpu.memref_squeeze %dma_start3A_28 : memref<1x1x50x80xi32, #tpu.memory_space<hbm>> -> memref<50x80xi32, #tpu.memory_space<hbm>>
        %dma_start3A_30 = arith.constant 0 : i32
        %dma_start3A_31 = tpu.memref_slice %arg3[%arg0, %arg1, %mul3A_13, %dma_start3A_30] : memref<2x16x250x80xi32, #tpu.memory_space<hbm>> -> memref<1x1x50x80xi32, #tpu.memory_space<hbm>>
        %dma_start3A_32 = tpu.memref_squeeze %dma_start3A_31 : memref<1x1x50x80xi32, #tpu.memory_space<hbm>> -> memref<50x80xi32, #tpu.memory_space<hbm>>
        tpu.enqueue_dma source(%dma_start3A_32 : memref<50x80xi32, #tpu.memory_space<hbm>>) target(%arg7 : memref<50x80xi32, #tpu.memory_space<vmem>>) target_semaphore(%run_scoped3A : memref<!tpu.dma_semaphore, #tpu.memory_space<semaphore_mem>>)
        %dma_wait3A = arith.constant 0 : i32
        %dma_wait3A_33 = tpu.memref_slice %arg3[%arg0, %arg1, %mul3A_13, %dma_wait3A] : memref<2x16x250x80xi32, #tpu.memory_space<hbm>> -> memref<1x1x50x80xi32, #tpu.memory_space<hbm>>
        %dma_wait3A_34 = tpu.memref_squeeze %dma_wait3A_33 : memref<1x1x50x80xi32, #tpu.memory_space<hbm>> -> memref<50x80xi32, #tpu.memory_space<hbm>>
        %dma_wait3A_35 = arith.constant 0 : i32
        %dma_wait3A_36 = tpu.memref_slice %arg3[%arg0, %arg1, %mul3A_13, %dma_wait3A_35] : memref<2x16x250x80xi32, #tpu.memory_space<hbm>> -> memref<1x1x50x80xi32, #tpu.memory_space<hbm>>
        %dma_wait3A_37 = tpu.memref_squeeze %dma_wait3A_36 : memref<1x1x50x80xi32, #tpu.memory_space<hbm>> -> memref<50x80xi32, #tpu.memory_space<hbm>>
        tpu.wait_dma2 semaphore(%run_scoped3A : memref<!tpu.dma_semaphore, #tpu.memory_space<semaphore_mem>>) src(%dma_wait3A_37 : memref<50x80xi32, #tpu.memory_space<hbm>>) dst(%arg7 : memref<50x80xi32, #tpu.memory_space<vmem>>)
        tpu.yield
      }) : () -> ()
      %mul3A_14 = arith.constant 50 : i32
      %mul3A_15 = arith.muli %scan3A_11, %mul3A_14 : i32
      "tpu.region"() ({
        %run_scoped3A = tpu.sem_alloc : memref<!tpu.dma_semaphore, #tpu.memory_space<semaphore_mem>>
        %dma_start3A_27 = arith.constant 0 : i32
        %dma_start3A_28 = tpu.memref_slice %arg4[%arg1, %mul3A_15, %dma_start3A_27] : memref<16x250x80xi32, #tpu.memory_space<hbm>> -> memref<1x50x80xi32, #tpu.memory_space<hbm>>
        %dma_start3A_29 = tpu.memref_squeeze %dma_start3A_28 : memref<1x50x80xi32, #tpu.memory_space<hbm>> -> memref<50x80xi32, #tpu.memory_space<hbm>>
        %dma_start3A_30 = arith.constant 0 : i32
        %dma_start3A_31 = tpu.memref_slice %arg4[%arg1, %mul3A_15, %dma_start3A_30] : memref<16x250x80xi32, #tpu.memory_space<hbm>> -> memref<1x50x80xi32, #tpu.memory_space<hbm>>
        %dma_start3A_32 = tpu.memref_squeeze %dma_start3A_31 : memref<1x50x80xi32, #tpu.memory_space<hbm>> -> memref<50x80xi32, #tpu.memory_space<hbm>>
        tpu.enqueue_dma source(%dma_start3A_32 : memref<50x80xi32, #tpu.memory_space<hbm>>) target(%arg8 : memref<50x80xi32, #tpu.memory_space<vmem>>) target_semaphore(%run_scoped3A : memref<!tpu.dma_semaphore, #tpu.memory_space<semaphore_mem>>)
        %dma_wait3A = arith.constant 0 : i32
        %dma_wait3A_33 = tpu.memref_slice %arg4[%arg1, %mul3A_15, %dma_wait3A] : memref<16x250x80xi32, #tpu.memory_space<hbm>> -> memref<1x50x80xi32, #tpu.memory_space<hbm>>
        %dma_wait3A_34 = tpu.memref_squeeze %dma_wait3A_33 : memref<1x50x80xi32, #tpu.memory_space<hbm>> -> memref<50x80xi32, #tpu.memory_space<hbm>>
        %dma_wait3A_35 = arith.constant 0 : i32
        %dma_wait3A_36 = tpu.memref_slice %arg4[%arg1, %mul3A_15, %dma_wait3A_35] : memref<16x250x80xi32, #tpu.memory_space<hbm>> -> memref<1x50x80xi32, #tpu.memory_space<hbm>>
        %dma_wait3A_37 = tpu.memref_squeeze %dma_wait3A_36 : memref<1x50x80xi32, #tpu.memory_space<hbm>> -> memref<50x80xi32, #tpu.memory_space<hbm>>
        tpu.wait_dma2 semaphore(%run_scoped3A : memref<!tpu.dma_semaphore, #tpu.memory_space<semaphore_mem>>) src(%dma_wait3A_37 : memref<50x80xi32, #tpu.memory_space<hbm>>) dst(%arg8 : memref<50x80xi32, #tpu.memory_space<vmem>>)
        tpu.yield
      }) : () -> ()
      %dma_start3A = arith.constant 0 : i32
      %dma_start3A_16 = arith.constant 0 : i32
      %dma_start3A_17 = tpu.memref_slice %arg7[%dma_start3A, %dma_start3A_16] : memref<50x80xi32, #tpu.memory_space<vmem>> -> memref<1x80xi32, #tpu.memory_space<vmem>>
      %dma_start3A_18 = tpu.memref_squeeze %dma_start3A_17 : memref<1x80xi32, #tpu.memory_space<vmem>> -> memref<80xi32, #tpu.memory_space<vmem>>
      %dma_start3A_19 = arith.constant 0 : i32
      %dma_start3A_20 = arith.constant 0 : i32
      %dma_start3A_21 = tpu.memref_slice %arg2[%dma_start3A_19, %dma_start3A_20] : memref<20000x64xf32, #tpu.memory_space<hbm>> -> memref<20000x64xf32, #tpu.memory_space<hbm>>
      tpu.enqueue_indirect_dma source(%dma_start3A_21 : memref<20000x64xf32, #tpu.memory_space<hbm>>) target(%arg9 : memref<80x64xf32, #tpu.memory_space<vmem>>) offsets(%dma_start3A_18 : memref<80xi32, #tpu.memory_space<vmem>>) semaphore(%arg12 : memref<!tpu.dma_semaphore, #tpu.memory_space<semaphore_mem>>)
      %scan3A_22 = arith.constant 0 : i32
      %scan3A_23 = arith.constant 25 : i32
      %scan3A_24 = arith.addi %scan3A_22, %scan3A_23 : i32
      %scan3A_25 = arith.constant 1 : i32
      scf.for %scan3A_27 = %scan3A_22 to %scan3A_24 step %scan3A_25  : i32 {
        %mul3A_28 = arith.constant 2 : i32
        %mul3A_29 = arith.muli %mul3A_28, %scan3A_27 : i32
        %dma_wait3A = arith.constant 0 : i32
        %dma_wait3A_30 = tpu.memref_slice %arg7[%mul3A_29, %dma_wait3A] : memref<50x80xi32, #tpu.memory_space<vmem>> -> memref<1x80xi32, #tpu.memory_space<vmem>>
        %dma_wait3A_31 = tpu.memref_squeeze %dma_wait3A_30 : memref<1x80xi32, #tpu.memory_space<vmem>> -> memref<80xi32, #tpu.memory_space<vmem>>
        %dma_wait3A_32 = arith.constant 0 : i32
        %dma_wait3A_33 = arith.constant 0 : i32
        %dma_wait3A_34 = tpu.memref_slice %arg2[%dma_wait3A_32, %dma_wait3A_33] : memref<20000x64xf32, #tpu.memory_space<hbm>> -> memref<20000x64xf32, #tpu.memory_space<hbm>>
        tpu.wait_indirect_dma semaphore(%arg12 : memref<!tpu.dma_semaphore, #tpu.memory_space<semaphore_mem>>) src(%dma_wait3A_34 : memref<20000x64xf32, #tpu.memory_space<hbm>>) dst(%arg9 : memref<80x64xf32, #tpu.memory_space<vmem>>)
        %add3A = arith.constant 1 : i32
        %add3A_35 = arith.addi %mul3A_29, %add3A : i32
        %dma_start3A_36 = arith.constant 0 : i32
        %dma_start3A_37 = tpu.memref_slice %arg7[%add3A_35, %dma_start3A_36] : memref<50x80xi32, #tpu.memory_space<vmem>> -> memref<1x80xi32, #tpu.memory_space<vmem>>
        %dma_start3A_38 = tpu.memref_squeeze %dma_start3A_37 : memref<1x80xi32, #tpu.memory_space<vmem>> -> memref<80xi32, #tpu.memory_space<vmem>>
        %dma_start3A_39 = arith.constant 0 : i32
        %dma_start3A_40 = arith.constant 0 : i32
        %dma_start3A_41 = tpu.memref_slice %arg2[%dma_start3A_39, %dma_start3A_40] : memref<20000x64xf32, #tpu.memory_space<hbm>> -> memref<20000x64xf32, #tpu.memory_space<hbm>>
        tpu.enqueue_indirect_dma source(%dma_start3A_41 : memref<20000x64xf32, #tpu.memory_space<hbm>>) target(%arg10 : memref<80x64xf32, #tpu.memory_space<vmem>>) offsets(%dma_start3A_38 : memref<80xi32, #tpu.memory_space<vmem>>) semaphore(%arg13 : memref<!tpu.dma_semaphore, #tpu.memory_space<semaphore_mem>>)
        "tpu.region"() ({
          %run_scoped3A = tpu.sem_alloc : memref<!tpu.dma_semaphore, #tpu.memory_space<semaphore_mem>>
          %dma_start3A_54 = arith.constant 0 : i32
          %dma_start3A_55 = tpu.memref_slice %arg8[%mul3A_29, %dma_start3A_54] : memref<50x80xi32, #tpu.memory_space<vmem>> -> memref<1x80xi32, #tpu.memory_space<vmem>>
          %dma_start3A_56 = tpu.memref_squeeze %dma_start3A_55 : memref<1x80xi32, #tpu.memory_space<vmem>> -> memref<80xi32, #tpu.memory_space<vmem>>
          %dma_start3A_57 = arith.constant 0 : i32
          %dma_start3A_58 = arith.constant 0 : i32
          %dma_start3A_59 = tpu.memref_slice %arg11[%dma_start3A_57, %dma_start3A_58] : memref<10240x64xf32, #tpu.memory_space<vmem_shared>> -> memref<10240x64xf32, #tpu.memory_space<vmem_shared>>
          tpu.enqueue_indirect_dma source(%arg9 : memref<80x64xf32, #tpu.memory_space<vmem>>) target(%dma_start3A_59 : memref<10240x64xf32, #tpu.memory_space<vmem_shared>>) offsets(%dma_start3A_56 : memref<80xi32, #tpu.memory_space<vmem>>) semaphore(%run_scoped3A : memref<!tpu.dma_semaphore, #tpu.memory_space<semaphore_mem>>) {add = true}
          %dma_wait3A_60 = arith.constant 0 : i32
          %dma_wait3A_61 = tpu.memref_slice %arg8[%mul3A_29, %dma_wait3A_60] : memref<50x80xi32, #tpu.memory_space<vmem>> -> memref<1x80xi32, #tpu.memory_space<vmem>>
          %dma_wait3A_62 = tpu.memref_squeeze %dma_wait3A_61 : memref<1x80xi32, #tpu.memory_space<vmem>> -> memref<80xi32, #tpu.memory_space<vmem>>
          %dma_wait3A_63 = arith.constant 0 : i32
          %dma_wait3A_64 = arith.constant 0 : i32
          %dma_wait3A_65 = tpu.memref_slice %arg11[%dma_wait3A_63, %dma_wait3A_64] : memref<10240x64xf32, #tpu.memory_space<vmem_shared>> -> memref<10240x64xf32, #tpu.memory_space<vmem_shared>>
          tpu.wait_indirect_dma semaphore(%run_scoped3A : memref<!tpu.dma_semaphore, #tpu.memory_space<semaphore_mem>>) src(%arg9 : memref<80x64xf32, #tpu.memory_space<vmem>>) dst(%dma_wait3A_65 : memref<10240x64xf32, #tpu.memory_space<vmem_shared>>)
          tpu.yield
        }) : () -> ()
        %add3A_42 = arith.constant 1 : i32
        %add3A_43 = arith.addi %mul3A_29, %add3A_42 : i32
        %dma_wait3A_44 = arith.constant 0 : i32
        %dma_wait3A_45 = tpu.memref_slice %arg7[%add3A_43, %dma_wait3A_44] : memref<50x80xi32, #tpu.memory_space<vmem>> -> memref<1x80xi32, #tpu.memory_space<vmem>>
        %dma_wait3A_46 = tpu.memref_squeeze %dma_wait3A_45 : memref<1x80xi32, #tpu.memory_space<vmem>> -> memref<80xi32, #tpu.memory_space<vmem>>
        %dma_wait3A_47 = arith.constant 0 : i32
        %dma_wait3A_48 = arith.constant 0 : i32
        %dma_wait3A_49 = tpu.memref_slice %arg2[%dma_wait3A_47, %dma_wait3A_48] : memref<20000x64xf32, #tpu.memory_space<hbm>> -> memref<20000x64xf32, #tpu.memory_space<hbm>>
        tpu.wait_indirect_dma semaphore(%arg13 : memref<!tpu.dma_semaphore, #tpu.memory_space<semaphore_mem>>) src(%dma_wait3A_49 : memref<20000x64xf32, #tpu.memory_space<hbm>>) dst(%arg10 : memref<80x64xf32, #tpu.memory_space<vmem>>)
        %lt3A = arith.constant 24 : i32
        %lt3A_50 = arith.cmpi slt, %scan3A_27, %lt3A : i32
        %convert_element_type3A = arith.extui %lt3A_50 : i1 to i32
        %cond3A = arith.constant 0 : i32
        %cond3A_51 = arith.cmpi ne, %convert_element_type3A, %cond3A : i32
        scf.if %cond3A_51 {
          %add3A_54 = arith.constant 2 : i32
          %add3A_55 = arith.addi %mul3A_29, %add3A_54 : i32
          %dma_start3A_56 = arith.constant 0 : i32
          %dma_start3A_57 = tpu.memref_slice %arg7[%add3A_55, %dma_start3A_56] : memref<50x80xi32, #tpu.memory_space<vmem>> -> memref<1x80xi32, #tpu.memory_space<vmem>>
          %dma_start3A_58 = tpu.memref_squeeze %dma_start3A_57 : memref<1x80xi32, #tpu.memory_space<vmem>> -> memref<80xi32, #tpu.memory_space<vmem>>
          %dma_start3A_59 = arith.constant 0 : i32
          %dma_start3A_60 = arith.constant 0 : i32
          %dma_start3A_61 = tpu.memref_slice %arg2[%dma_start3A_59, %dma_start3A_60] : memref<20000x64xf32, #tpu.memory_space<hbm>> -> memref<20000x64xf32, #tpu.memory_space<hbm>>
          tpu.enqueue_indirect_dma source(%dma_start3A_61 : memref<20000x64xf32, #tpu.memory_space<hbm>>) target(%arg9 : memref<80x64xf32, #tpu.memory_space<vmem>>) offsets(%dma_start3A_58 : memref<80xi32, #tpu.memory_space<vmem>>) semaphore(%arg12 : memref<!tpu.dma_semaphore, #tpu.memory_space<semaphore_mem>>)
        } else {
        }
        %add3A_52 = arith.constant 1 : i32
        %add3A_53 = arith.addi %mul3A_29, %add3A_52 : i32
        "tpu.region"() ({
          %run_scoped3A = tpu.sem_alloc : memref<!tpu.dma_semaphore, #tpu.memory_space<semaphore_mem>>
          %dma_start3A_54 = arith.constant 0 : i32
          %dma_start3A_55 = tpu.memref_slice %arg8[%add3A_53, %dma_start3A_54] : memref<50x80xi32, #tpu.memory_space<vmem>> -> memref<1x80xi32, #tpu.memory_space<vmem>>
          %dma_start3A_56 = tpu.memref_squeeze %dma_start3A_55 : memref<1x80xi32, #tpu.memory_space<vmem>> -> memref<80xi32, #tpu.memory_space<vmem>>
          %dma_start3A_57 = arith.constant 0 : i32
          %dma_start3A_58 = arith.constant 0 : i32
          %dma_start3A_59 = tpu.memref_slice %arg11[%dma_start3A_57, %dma_start3A_58] : memref<10240x64xf32, #tpu.memory_space<vmem_shared>> -> memref<10240x64xf32, #tpu.memory_space<vmem_shared>>
          tpu.enqueue_indirect_dma source(%arg10 : memref<80x64xf32, #tpu.memory_space<vmem>>) target(%dma_start3A_59 : memref<10240x64xf32, #tpu.memory_space<vmem_shared>>) offsets(%dma_start3A_56 : memref<80xi32, #tpu.memory_space<vmem>>) semaphore(%run_scoped3A : memref<!tpu.dma_semaphore, #tpu.memory_space<semaphore_mem>>) {add = true}
          %dma_wait3A_60 = arith.constant 0 : i32
          %dma_wait3A_61 = tpu.memref_slice %arg8[%add3A_53, %dma_wait3A_60] : memref<50x80xi32, #tpu.memory_space<vmem>> -> memref<1x80xi32, #tpu.memory_space<vmem>>
          %dma_wait3A_62 = tpu.memref_squeeze %dma_wait3A_61 : memref<1x80xi32, #tpu.memory_space<vmem>> -> memref<80xi32, #tpu.memory_space<vmem>>
          %dma_wait3A_63 = arith.constant 0 : i32
          %dma_wait3A_64 = arith.constant 0 : i32
          %dma_wait3A_65 = tpu.memref_slice %arg11[%dma_wait3A_63, %dma_wait3A_64] : memref<10240x64xf32, #tpu.memory_space<vmem_shared>> -> memref<10240x64xf32, #tpu.memory_space<vmem_shared>>
          tpu.wait_indirect_dma semaphore(%run_scoped3A : memref<!tpu.dma_semaphore, #tpu.memory_space<semaphore_mem>>) src(%arg10 : memref<80x64xf32, #tpu.memory_space<vmem>>) dst(%dma_wait3A_65 : memref<10240x64xf32, #tpu.memory_space<vmem_shared>>)
          tpu.yield
        }) : () -> ()
      }
      %scan3A_26 = arith.constant 25 : i32
    }
    %scan3A_5 = arith.constant 5 : i32
    %barrier3A_6 = arith.constant 0 : index
    tpu.barrier barrier_id(%barrier3A_6)
    %mul3A_7 = arith.constant 640 : i32
    %mul3A_8 = arith.muli %arg1, %mul3A_7 : i32
    %mul3A_9 = arith.constant 640 : i32
    %mul3A_10 = arith.muli %arg1, %mul3A_9 : i32
    "tpu.region"() ({
      %run_scoped3A = tpu.sem_alloc : memref<!tpu.dma_semaphore, #tpu.memory_space<semaphore_mem>>
      %dma_start3A = arith.constant 0 : i32
      %dma_start3A_11 = tpu.memref_slice %arg6[%arg0, %mul3A_10, %dma_start3A] : memref<2x10240x64xf32, #tpu.memory_space<hbm>> -> memref<1x640x64xf32, #tpu.memory_space<hbm>>
      %dma_start3A_12 = tpu.memref_squeeze %dma_start3A_11 : memref<1x640x64xf32, #tpu.memory_space<hbm>> -> memref<640x64xf32, #tpu.memory_space<hbm>>
      %dma_start3A_13 = arith.constant 0 : i32
      %dma_start3A_14 = tpu.memref_slice %arg11[%mul3A_8, %dma_start3A_13] : memref<10240x64xf32, #tpu.memory_space<vmem_shared>> -> memref<640x64xf32, #tpu.memory_space<vmem_shared>>
      tpu.enqueue_dma source(%dma_start3A_14 : memref<640x64xf32, #tpu.memory_space<vmem_shared>>) target(%dma_start3A_12 : memref<640x64xf32, #tpu.memory_space<hbm>>) target_semaphore(%run_scoped3A : memref<!tpu.dma_semaphore, #tpu.memory_space<semaphore_mem>>)
      %dma_wait3A = arith.constant 0 : i32
      %dma_wait3A_15 = tpu.memref_slice %arg6[%arg0, %mul3A_10, %dma_wait3A] : memref<2x10240x64xf32, #tpu.memory_space<hbm>> -> memref<1x640x64xf32, #tpu.memory_space<hbm>>
      %dma_wait3A_16 = tpu.memref_squeeze %dma_wait3A_15 : memref<1x640x64xf32, #tpu.memory_space<hbm>> -> memref<640x64xf32, #tpu.memory_space<hbm>>
      %dma_wait3A_17 = arith.constant 0 : i32
      %dma_wait3A_18 = tpu.memref_slice %arg11[%mul3A_8, %dma_wait3A_17] : memref<10240x64xf32, #tpu.memory_space<vmem_shared>> -> memref<640x64xf32, #tpu.memory_space<vmem_shared>>
      tpu.wait_dma2 semaphore(%run_scoped3A : memref<!tpu.dma_semaphore, #tpu.memory_space<semaphore_mem>>) src(%dma_wait3A_18 : memref<640x64xf32, #tpu.memory_space<vmem_shared>>) dst(%dma_wait3A_16 : memref<640x64xf32, #tpu.memory_space<hbm>>)
      tpu.yield
    }) : () -> ()
    return
  }
}

#map = affine_map<(d0, d1) -> (0, 0, 0)>
#map1 = affine_map<(d0, d1) -> (0, 0)>
module attributes {stable_mosaic.version = 14 : i64} {
  func.func @_deg_body(%arg0: i32, %arg1: i32, %arg2: memref<32x125x80xi32, #tpu.memory_space<hbm>>, %arg3: memref<80x8xf32, #tpu.memory_space<hbm>>, %arg4: memref<640x8xf32, #tpu.memory_space<hbm>>, %arg5: memref<2x10240x8xf32, #tpu.memory_space<hbm>>, %arg6: memref<5x80xi32, #tpu.memory_space<vmem>>, %arg7: memref<80x8xf32, #tpu.memory_space<vmem>>, %arg8: memref<10240x8xf32, #tpu.memory_space<vmem_shared>>) attributes {dimension_semantics = [#tpu.dimension_semantics<core_parallel>, #tpu.dimension_semantics<subcore_parallel>], iteration_bounds = array<i64: 2, 16>, scalar_prefetch = 0 : i64, scratch_operands = 3 : i64, tpu.core_type = #tpu.core_type<sc_vector_subcore>, window_params = [{transform_indices = #map}, {transform_indices = #map1}, {transform_indices = #map1}, {transform_indices = #map}]} {
    %mul3A = arith.constant 16 : i32
    %mul3A_0 = arith.muli %arg0, %mul3A : i32
    %add3A = arith.addi %mul3A_0, %arg1 : i32
    "tpu.region"() ({
      %run_scoped3A = tpu.sem_alloc : memref<!tpu.dma_semaphore, #tpu.memory_space<semaphore_mem>>
      tpu.enqueue_dma source(%arg3 : memref<80x8xf32, #tpu.memory_space<hbm>>) target(%arg7 : memref<80x8xf32, #tpu.memory_space<vmem>>) target_semaphore(%run_scoped3A : memref<!tpu.dma_semaphore, #tpu.memory_space<semaphore_mem>>)
      tpu.wait_dma2 semaphore(%run_scoped3A : memref<!tpu.dma_semaphore, #tpu.memory_space<semaphore_mem>>) src(%arg3 : memref<80x8xf32, #tpu.memory_space<hbm>>) dst(%arg7 : memref<80x8xf32, #tpu.memory_space<vmem>>)
      tpu.yield
    }) : () -> ()
    %mul3A_1 = arith.constant 640 : i32
    %mul3A_2 = arith.muli %arg1, %mul3A_1 : i32
    "tpu.region"() ({
      %run_scoped3A = tpu.sem_alloc : memref<!tpu.dma_semaphore, #tpu.memory_space<semaphore_mem>>
      %dma_start3A = arith.constant 0 : i32
      %dma_start3A_13 = tpu.memref_slice %arg8[%mul3A_2, %dma_start3A] : memref<10240x8xf32, #tpu.memory_space<vmem_shared>> -> memref<640x8xf32, #tpu.memory_space<vmem_shared>>
      tpu.enqueue_dma source(%arg4 : memref<640x8xf32, #tpu.memory_space<hbm>>) target(%dma_start3A_13 : memref<640x8xf32, #tpu.memory_space<vmem_shared>>) target_semaphore(%run_scoped3A : memref<!tpu.dma_semaphore, #tpu.memory_space<semaphore_mem>>)
      %dma_wait3A = arith.constant 0 : i32
      %dma_wait3A_14 = tpu.memref_slice %arg8[%mul3A_2, %dma_wait3A] : memref<10240x8xf32, #tpu.memory_space<vmem_shared>> -> memref<640x8xf32, #tpu.memory_space<vmem_shared>>
      tpu.wait_dma2 semaphore(%run_scoped3A : memref<!tpu.dma_semaphore, #tpu.memory_space<semaphore_mem>>) src(%arg4 : memref<640x8xf32, #tpu.memory_space<hbm>>) dst(%dma_wait3A_14 : memref<640x8xf32, #tpu.memory_space<vmem_shared>>)
      tpu.yield
    }) : () -> ()
    %barrier3A = arith.constant 0 : index
    tpu.barrier barrier_id(%barrier3A)
    %scan3A = arith.constant 0 : i32
    %scan3A_3 = arith.constant 0 : i32
    %scan3A_4 = arith.constant 25 : i32
    %scan3A_5 = arith.addi %scan3A_3, %scan3A_4 : i32
    %scan3A_6 = arith.constant 1 : i32
    scf.for %scan3A_13 = %scan3A_3 to %scan3A_5 step %scan3A_6  : i32 {
      %mul3A_14 = arith.constant 5 : i32
      %mul3A_15 = arith.muli %scan3A_13, %mul3A_14 : i32
      "tpu.region"() ({
        %run_scoped3A = tpu.sem_alloc : memref<!tpu.dma_semaphore, #tpu.memory_space<semaphore_mem>>
        %dma_start3A = arith.constant 0 : i32
        %dma_start3A_21 = tpu.memref_slice %arg2[%add3A, %mul3A_15, %dma_start3A] : memref<32x125x80xi32, #tpu.memory_space<hbm>> -> memref<1x5x80xi32, #tpu.memory_space<hbm>>
        %dma_start3A_22 = tpu.memref_squeeze %dma_start3A_21 : memref<1x5x80xi32, #tpu.memory_space<hbm>> -> memref<5x80xi32, #tpu.memory_space<hbm>>
        %dma_start3A_23 = arith.constant 0 : i32
        %dma_start3A_24 = tpu.memref_slice %arg2[%add3A, %mul3A_15, %dma_start3A_23] : memref<32x125x80xi32, #tpu.memory_space<hbm>> -> memref<1x5x80xi32, #tpu.memory_space<hbm>>
        %dma_start3A_25 = tpu.memref_squeeze %dma_start3A_24 : memref<1x5x80xi32, #tpu.memory_space<hbm>> -> memref<5x80xi32, #tpu.memory_space<hbm>>
        tpu.enqueue_dma source(%dma_start3A_25 : memref<5x80xi32, #tpu.memory_space<hbm>>) target(%arg6 : memref<5x80xi32, #tpu.memory_space<vmem>>) target_semaphore(%run_scoped3A : memref<!tpu.dma_semaphore, #tpu.memory_space<semaphore_mem>>)
        %dma_wait3A = arith.constant 0 : i32
        %dma_wait3A_26 = tpu.memref_slice %arg2[%add3A, %mul3A_15, %dma_wait3A] : memref<32x125x80xi32, #tpu.memory_space<hbm>> -> memref<1x5x80xi32, #tpu.memory_space<hbm>>
        %dma_wait3A_27 = tpu.memref_squeeze %dma_wait3A_26 : memref<1x5x80xi32, #tpu.memory_space<hbm>> -> memref<5x80xi32, #tpu.memory_space<hbm>>
        %dma_wait3A_28 = arith.constant 0 : i32
        %dma_wait3A_29 = tpu.memref_slice %arg2[%add3A, %mul3A_15, %dma_wait3A_28] : memref<32x125x80xi32, #tpu.memory_space<hbm>> -> memref<1x5x80xi32, #tpu.memory_space<hbm>>
        %dma_wait3A_30 = tpu.memref_squeeze %dma_wait3A_29 : memref<1x5x80xi32, #tpu.memory_space<hbm>> -> memref<5x80xi32, #tpu.memory_space<hbm>>
        tpu.wait_dma2 semaphore(%run_scoped3A : memref<!tpu.dma_semaphore, #tpu.memory_space<semaphore_mem>>) src(%dma_wait3A_30 : memref<5x80xi32, #tpu.memory_space<hbm>>) dst(%arg6 : memref<5x80xi32, #tpu.memory_space<vmem>>)
        tpu.yield
      }) : () -> ()
      %scan3A_16 = arith.constant 0 : i32
      %scan3A_17 = arith.constant 5 : i32
      %scan3A_18 = arith.addi %scan3A_16, %scan3A_17 : i32
      %scan3A_19 = arith.constant 1 : i32
      scf.for %scan3A_21 = %scan3A_16 to %scan3A_18 step %scan3A_19  : i32 {
        "tpu.region"() ({
          %run_scoped3A = tpu.sem_alloc : memref<!tpu.dma_semaphore, #tpu.memory_space<semaphore_mem>>
          %dma_start3A = arith.constant 0 : i32
          %dma_start3A_22 = tpu.memref_slice %arg6[%scan3A_21, %dma_start3A] : memref<5x80xi32, #tpu.memory_space<vmem>> -> memref<1x80xi32, #tpu.memory_space<vmem>>
          %dma_start3A_23 = tpu.memref_squeeze %dma_start3A_22 : memref<1x80xi32, #tpu.memory_space<vmem>> -> memref<80xi32, #tpu.memory_space<vmem>>
          %dma_start3A_24 = arith.constant 0 : i32
          %dma_start3A_25 = arith.constant 0 : i32
          %dma_start3A_26 = tpu.memref_slice %arg8[%dma_start3A_24, %dma_start3A_25] : memref<10240x8xf32, #tpu.memory_space<vmem_shared>> -> memref<10240x8xf32, #tpu.memory_space<vmem_shared>>
          tpu.enqueue_indirect_dma source(%arg7 : memref<80x8xf32, #tpu.memory_space<vmem>>) target(%dma_start3A_26 : memref<10240x8xf32, #tpu.memory_space<vmem_shared>>) offsets(%dma_start3A_23 : memref<80xi32, #tpu.memory_space<vmem>>) semaphore(%run_scoped3A : memref<!tpu.dma_semaphore, #tpu.memory_space<semaphore_mem>>) {add = true}
          %dma_wait3A = arith.constant 0 : i32
          %dma_wait3A_27 = tpu.memref_slice %arg6[%scan3A_21, %dma_wait3A] : memref<5x80xi32, #tpu.memory_space<vmem>> -> memref<1x80xi32, #tpu.memory_space<vmem>>
          %dma_wait3A_28 = tpu.memref_squeeze %dma_wait3A_27 : memref<1x80xi32, #tpu.memory_space<vmem>> -> memref<80xi32, #tpu.memory_space<vmem>>
          %dma_wait3A_29 = arith.constant 0 : i32
          %dma_wait3A_30 = arith.constant 0 : i32
          %dma_wait3A_31 = tpu.memref_slice %arg8[%dma_wait3A_29, %dma_wait3A_30] : memref<10240x8xf32, #tpu.memory_space<vmem_shared>> -> memref<10240x8xf32, #tpu.memory_space<vmem_shared>>
          tpu.wait_indirect_dma semaphore(%run_scoped3A : memref<!tpu.dma_semaphore, #tpu.memory_space<semaphore_mem>>) src(%arg7 : memref<80x8xf32, #tpu.memory_space<vmem>>) dst(%dma_wait3A_31 : memref<10240x8xf32, #tpu.memory_space<vmem_shared>>)
          tpu.yield
        }) : () -> ()
      }
      %scan3A_20 = arith.constant 5 : i32
    }
    %scan3A_7 = arith.constant 25 : i32
    %barrier3A_8 = arith.constant 0 : index
    tpu.barrier barrier_id(%barrier3A_8)
    %mul3A_9 = arith.constant 640 : i32
    %mul3A_10 = arith.muli %arg1, %mul3A_9 : i32
    %mul3A_11 = arith.constant 640 : i32
    %mul3A_12 = arith.muli %arg1, %mul3A_11 : i32
    "tpu.region"() ({
      %run_scoped3A = tpu.sem_alloc : memref<!tpu.dma_semaphore, #tpu.memory_space<semaphore_mem>>
      %dma_start3A = arith.constant 0 : i32
      %dma_start3A_13 = tpu.memref_slice %arg5[%arg0, %mul3A_12, %dma_start3A] : memref<2x10240x8xf32, #tpu.memory_space<hbm>> -> memref<1x640x8xf32, #tpu.memory_space<hbm>>
      %dma_start3A_14 = tpu.memref_squeeze %dma_start3A_13 : memref<1x640x8xf32, #tpu.memory_space<hbm>> -> memref<640x8xf32, #tpu.memory_space<hbm>>
      %dma_start3A_15 = arith.constant 0 : i32
      %dma_start3A_16 = tpu.memref_slice %arg8[%mul3A_10, %dma_start3A_15] : memref<10240x8xf32, #tpu.memory_space<vmem_shared>> -> memref<640x8xf32, #tpu.memory_space<vmem_shared>>
      tpu.enqueue_dma source(%dma_start3A_16 : memref<640x8xf32, #tpu.memory_space<vmem_shared>>) target(%dma_start3A_14 : memref<640x8xf32, #tpu.memory_space<hbm>>) target_semaphore(%run_scoped3A : memref<!tpu.dma_semaphore, #tpu.memory_space<semaphore_mem>>)
      %dma_wait3A = arith.constant 0 : i32
      %dma_wait3A_17 = tpu.memref_slice %arg5[%arg0, %mul3A_12, %dma_wait3A] : memref<2x10240x8xf32, #tpu.memory_space<hbm>> -> memref<1x640x8xf32, #tpu.memory_space<hbm>>
      %dma_wait3A_18 = tpu.memref_squeeze %dma_wait3A_17 : memref<1x640x8xf32, #tpu.memory_space<hbm>> -> memref<640x8xf32, #tpu.memory_space<hbm>>
      %dma_wait3A_19 = arith.constant 0 : i32
      %dma_wait3A_20 = tpu.memref_slice %arg8[%mul3A_10, %dma_wait3A_19] : memref<10240x8xf32, #tpu.memory_space<vmem_shared>> -> memref<640x8xf32, #tpu.memory_space<vmem_shared>>
      tpu.wait_dma2 semaphore(%run_scoped3A : memref<!tpu.dma_semaphore, #tpu.memory_space<semaphore_mem>>) src(%dma_wait3A_20 : memref<640x8xf32, #tpu.memory_space<vmem_shared>>) dst(%dma_wait3A_18 : memref<640x8xf32, #tpu.memory_space<hbm>>)
      tpu.yield
    }) : () -> ()
    return
  }
}

module attributes {stable_mosaic.version = 14 : i64} {
  func.func @_first_body(%arg0: i32, %arg1: memref<1000x128xf32, #tpu.memory_space<vmem>>, %arg2: memref<128x128xf32, #tpu.memory_space<vmem>>, %arg3: memref<2x1000x8xf32, #tpu.memory_space<vmem>>, %arg4: memref<2x1000x64xf32, #tpu.memory_space<vmem>>, %arg5: memref<1000x8xf32, #tpu.memory_space<vmem>>) attributes {dimension_semantics = [#tpu.dimension_semantics<arbitrary>], iteration_bounds = array<i64: 10>, scalar_prefetch = 0 : i64, scratch_operands = 0 : i64, tpu.core_type = #tpu.core_type<tc>, window_params = [{transform_indices = @transform_0, window_bounds = array<i64: 1000, 128>}, {pipeline_mode = #tpu.pipeline_mode<synchronous>, transform_indices = @transform_1, window_bounds = array<i64: 128, 128>}, {transform_indices = @transform_2, window_bounds = array<i64: 2, 1000, 8>}, {transform_indices = @transform_3, window_bounds = array<i64: 2, 1000, 64>}, {transform_indices = @transform_4, window_bounds = array<i64: 1000, 8>}]} {
    %get3A = arith.constant 0 : index
    %get3A_0 = arith.constant 0 : index
    %get3A_1 = arith.constant 0 : index
    %get3A_2 = vector.load %arg3[%get3A, %get3A_0, %get3A_1] : memref<2x1000x8xf32, #tpu.memory_space<vmem>>, vector<1x1000x8xf32>
    %get3A_3 = vector.shape_cast %get3A_2 : vector<1x1000x8xf32> to vector<1000x8xf32>
    %add3A = arith.constant 0.000000e+00 : f32
    %add3A_4 = vector.broadcast %add3A : f32 to vector<1000x8xf32>
    %add3A_5 = arith.addf %add3A_4, %get3A_3 : vector<1000x8xf32>
    %get3A_6 = arith.constant 1 : index
    %get3A_7 = arith.constant 0 : index
    %get3A_8 = arith.constant 0 : index
    %get3A_9 = vector.load %arg3[%get3A_6, %get3A_7, %get3A_8] : memref<2x1000x8xf32, #tpu.memory_space<vmem>>, vector<1x1000x8xf32>
    %get3A_10 = vector.shape_cast %get3A_9 : vector<1x1000x8xf32> to vector<1000x8xf32>
    %add3A_11 = arith.addf %add3A_5, %get3A_10 : vector<1000x8xf32>
    %add3A_12 = arith.constant 1.000000e+00 : f32
    %add3A_13 = vector.broadcast %add3A_12 : f32 to vector<1000x8xf32>
    %add3A_14 = arith.addf %add3A_13, %add3A_11 : vector<1000x8xf32>
    %rsqrt3A = math.rsqrt %add3A_14 : vector<1000x8xf32>
    %swap3A = arith.constant 0 : index
    %swap3A_15 = arith.constant 0 : index
    %swap3A_16 = vector.load %arg5[%swap3A, %swap3A_15] : memref<1000x8xf32, #tpu.memory_space<vmem>>, vector<1000x8xf32>
    tpu.vector_store %arg5[%swap3A, %swap3A_15], %rsqrt3A {strides = array<i32>} : memref<1000x8xf32, #tpu.memory_space<vmem>>, vector<1000x8xf32>,
    %get3A_17 = arith.constant 0 : index
    %get3A_18 = arith.constant 0 : index
    %get3A_19 = vector.load %arg1[%get3A_17, %get3A_18] : memref<1000x128xf32, #tpu.memory_space<vmem>>, vector<1000x128xf32>
    %get3A_20 = arith.constant 0 : index
    %get3A_21 = arith.constant 0 : index
    %get3A_22 = vector.load %arg2[%get3A_20, %get3A_21] : memref<128x128xf32, #tpu.memory_space<vmem>>, vector<128x128xf32>
    %dot_general3A = arith.constant dense<0.000000e+00> : vector<1000x128xf32>
    %dot_general3A_23 = tpu.matmul %get3A_19, %get3A_22, %dot_general3A {dimension_numbers = #tpu.dot_dimension_numbers<[1], [0], [0], [1], [0, 0, 1, 1], [], []>, transpose_lhs_hint = false} : vector<1000x128xf32>, vector<128x128xf32>, vector<1000x128xf32> -> vector<1000x128xf32>
    %slice3A = vector.extract_strided_slice %rsqrt3A {offsets = [0, 0], sizes = [1000, 1], strides = [1, 1]} : vector<1000x8xf32> to vector<1000x1xf32>
    %mul3A = vector.broadcast %slice3A : vector<1000x1xf32> to vector<1000x128xf32>
    %mul3A_24 = arith.mulf %dot_general3A_23, %mul3A : vector<1000x128xf32>
    %slice3A_25 = vector.extract_strided_slice %mul3A_24 {offsets = [0, 0], sizes = [1000, 64], strides = [1, 1]} : vector<1000x128xf32> to vector<1000x64xf32>
    %swap3A_26 = arith.constant 0 : index
    %swap3A_27 = arith.constant 0 : index
    %swap3A_28 = arith.constant 0 : index
    %swap3A_29 = vector.load %arg4[%swap3A_26, %swap3A_27, %swap3A_28] : memref<2x1000x64xf32, #tpu.memory_space<vmem>>, vector<1x1000x64xf32>
    %swap3A_30 = vector.shape_cast %swap3A_29 : vector<1x1000x64xf32> to vector<1000x64xf32>
    %swap3A_31 = vector.shape_cast %slice3A_25 : vector<1000x64xf32> to vector<1x1000x64xf32>
    tpu.vector_store %arg4[%swap3A_26, %swap3A_27, %swap3A_28], %swap3A_31 {strides = array<i32>} : memref<2x1000x64xf32, #tpu.memory_space<vmem>>, vector<1x1000x64xf32>,
    %slice3A_32 = vector.extract_strided_slice %mul3A_24 {offsets = [0, 64], sizes = [1000, 64], strides = [1, 1]} : vector<1000x128xf32> to vector<1000x64xf32>
    %swap3A_33 = arith.constant 1 : index
    %swap3A_34 = arith.constant 0 : index
    %swap3A_35 = arith.constant 0 : index
    %swap3A_36 = vector.load %arg4[%swap3A_33, %swap3A_34, %swap3A_35] : memref<2x1000x64xf32, #tpu.memory_space<vmem>>, vector<1x1000x64xf32>
    %swap3A_37 = vector.shape_cast %swap3A_36 : vector<1x1000x64xf32> to vector<1000x64xf32>
    %swap3A_38 = vector.shape_cast %slice3A_32 : vector<1000x64xf32> to vector<1x1000x64xf32>
    tpu.vector_store %arg4[%swap3A_33, %swap3A_34, %swap3A_35], %swap3A_38 {strides = array<i32>} : memref<2x1000x64xf32, #tpu.memory_space<vmem>>, vector<1x1000x64xf32>,
    return
  }
  func.func @transform_0(%arg0: i32) -> (i32, i32) {
    %c0_i32 = arith.constant 0 : i32
    %c0_i32_0 = arith.constant 0 : i32
    return %arg0, %c0_i32 : i32, i32
  }
  func.func @transform_1(%arg0: i32) -> (i32, i32) {
    %c0_i32 = arith.constant 0 : i32
    %c0_i32_0 = arith.constant 0 : i32
    %c0_i32_1 = arith.constant 0 : i32
    return %c0_i32, %c0_i32_0 : i32, i32
  }
  func.func @transform_2(%arg0: i32) -> (i32, i32, i32) {
    %c0_i32 = arith.constant 0 : i32
    %c0_i32_0 = arith.constant 0 : i32
    %c0_i32_1 = arith.constant 0 : i32
    return %c0_i32, %arg0, %c0_i32_0 : i32, i32, i32
  }
  func.func @transform_3(%arg0: i32) -> (i32, i32, i32) {
    %c0_i32 = arith.constant 0 : i32
    %c0_i32_0 = arith.constant 0 : i32
    %c0_i32_1 = arith.constant 0 : i32
    return %c0_i32, %arg0, %c0_i32_0 : i32, i32, i32
  }
  func.func @transform_4(%arg0: i32) -> (i32, i32) {
    %c0_i32 = arith.constant 0 : i32
    %c0_i32_0 = arith.constant 0 : i32
    return %arg0, %c0_i32 : i32, i32
  }
}

module attributes {stable_mosaic.version = 14 : i64} {
  func.func @_mid_body(%arg0: i32, %arg1: memref<2x1000x64xf32, #tpu.memory_space<vmem>>, %arg2: memref<2x1000x64xf32, #tpu.memory_space<vmem>>, %arg3: memref<1000x8xf32, #tpu.memory_space<vmem>>, %arg4: memref<128x128xf32, #tpu.memory_space<vmem>>, %arg5: memref<8x128xf32, #tpu.memory_space<vmem>>, %arg6: memref<2x1000x64xf32, #tpu.memory_space<vmem>>) attributes {dimension_semantics = [#tpu.dimension_semantics<arbitrary>], iteration_bounds = array<i64: 10>, scalar_prefetch = 0 : i64, scratch_operands = 0 : i64, tpu.core_type = #tpu.core_type<tc>, window_params = [{transform_indices = @transform_0, window_bounds = array<i64: 2, 1000, 64>}, {transform_indices = @transform_1, window_bounds = array<i64: 2, 1000, 64>}, {transform_indices = @transform_2, window_bounds = array<i64: 1000, 8>}, {pipeline_mode = #tpu.pipeline_mode<synchronous>, transform_indices = @transform_3, window_bounds = array<i64: 128, 128>}, {pipeline_mode = #tpu.pipeline_mode<synchronous>, transform_indices = @transform_4, window_bounds = array<i64: 8, 128>}, {transform_indices = @transform_5, window_bounds = array<i64: 2, 1000, 64>}]} {
    %get3A = arith.constant 0 : index
    %get3A_0 = arith.constant 0 : index
    %get3A_1 = vector.load %arg3[%get3A, %get3A_0] : memref<1000x8xf32, #tpu.memory_space<vmem>>, vector<1000x8xf32>
    %slice3A = vector.extract_strided_slice %get3A_1 {offsets = [0, 0], sizes = [1000, 1], strides = [1, 1]} : vector<1000x8xf32> to vector<1000x1xf32>
    %get3A_2 = arith.constant 0 : index
    %get3A_3 = arith.constant 0 : index
    %get3A_4 = vector.load %arg5[%get3A_2, %get3A_3] : memref<8x128xf32, #tpu.memory_space<vmem>>, vector<8x128xf32>
    %get3A_5 = arith.constant 0 : index
    %get3A_6 = arith.constant 0 : index
    %get3A_7 = arith.constant 0 : index
    %get3A_8 = vector.load %arg1[%get3A_5, %get3A_6, %get3A_7] : memref<2x1000x64xf32, #tpu.memory_space<vmem>>, vector<1x1000x64xf32>
    %get3A_9 = vector.shape_cast %get3A_8 : vector<1x1000x64xf32> to vector<1000x64xf32>
    %get3A_10 = arith.constant 1 : index
    %get3A_11 = arith.constant 0 : index
    %get3A_12 = arith.constant 0 : index
    %get3A_13 = vector.load %arg1[%get3A_10, %get3A_11, %get3A_12] : memref<2x1000x64xf32, #tpu.memory_space<vmem>>, vector<1x1000x64xf32>
    %get3A_14 = vector.shape_cast %get3A_13 : vector<1x1000x64xf32> to vector<1000x64xf32>
    %concatenate3A = tpu.concatenate %get3A_9, %get3A_14 in 1 : vector<1000x64xf32>, vector<1000x64xf32> -> vector<1000x128xf32>
    %get3A_15 = arith.constant 0 : index
    %get3A_16 = arith.constant 0 : index
    %get3A_17 = arith.constant 0 : index
    %get3A_18 = vector.load %arg2[%get3A_15, %get3A_16, %get3A_17] : memref<2x1000x64xf32, #tpu.memory_space<vmem>>, vector<1x1000x64xf32>
    %get3A_19 = vector.shape_cast %get3A_18 : vector<1x1000x64xf32> to vector<1000x64xf32>
    %get3A_20 = arith.constant 1 : index
    %get3A_21 = arith.constant 0 : index
    %get3A_22 = arith.constant 0 : index
    %get3A_23 = vector.load %arg2[%get3A_20, %get3A_21, %get3A_22] : memref<2x1000x64xf32, #tpu.memory_space<vmem>>, vector<1x1000x64xf32>
    %get3A_24 = vector.shape_cast %get3A_23 : vector<1x1000x64xf32> to vector<1000x64xf32>
    %concatenate3A_25 = tpu.concatenate %get3A_19, %get3A_24 in 1 : vector<1000x64xf32>, vector<1000x64xf32> -> vector<1000x128xf32>
    %add3A = arith.addf %concatenate3A, %concatenate3A_25 : vector<1000x128xf32>
    %mul3A = vector.broadcast %slice3A : vector<1000x1xf32> to vector<1000x128xf32>
    %mul3A_26 = arith.mulf %add3A, %mul3A : vector<1000x128xf32>
    %slice3A_27 = vector.extract_strided_slice %get3A_4 {offsets = [0, 0], sizes = [1, 128], strides = [1, 1]} : vector<8x128xf32> to vector<1x128xf32>
    %add3A_28 = vector.broadcast %slice3A_27 : vector<1x128xf32> to vector<1000x128xf32>
    %add3A_29 = arith.addf %mul3A_26, %add3A_28 : vector<1000x128xf32>
    %max3A = arith.constant 0.000000e+00 : f32
    %max3A_30 = vector.broadcast %max3A : f32 to vector<1000x128xf32>
    %max3A_31 = arith.maximumf %add3A_29, %max3A_30 : vector<1000x128xf32>
    %slice3A_32 = vector.extract_strided_slice %get3A_4 {offsets = [3, 0], sizes = [1, 128], strides = [1, 1]} : vector<8x128xf32> to vector<1x128xf32>
    %sub3A = vector.broadcast %slice3A_32 : vector<1x128xf32> to vector<1000x128xf32>
    %sub3A_33 = arith.subf %max3A_31, %sub3A : vector<1000x128xf32>
    %slice3A_34 = vector.extract_strided_slice %get3A_4 {offsets = [4, 0], sizes = [1, 128], strides = [1, 1]} : vector<8x128xf32> to vector<1x128xf32>
    %add3A_35 = arith.constant 9.99999974E-6 : f32
    %add3A_36 = vector.broadcast %add3A_35 : f32 to vector<1x128xf32>
    %add3A_37 = arith.addf %slice3A_34, %add3A_36 : vector<1x128xf32>
    %rsqrt3A = math.rsqrt %add3A_37 : vector<1x128xf32>
    %mul3A_38 = vector.broadcast %rsqrt3A : vector<1x128xf32> to vector<1000x128xf32>
    %mul3A_39 = arith.mulf %sub3A_33, %mul3A_38 : vector<1000x128xf32>
    %slice3A_40 = vector.extract_strided_slice %get3A_4 {offsets = [1, 0], sizes = [1, 128], strides = [1, 1]} : vector<8x128xf32> to vector<1x128xf32>
    %mul3A_41 = vector.broadcast %slice3A_40 : vector<1x128xf32> to vector<1000x128xf32>
    %mul3A_42 = arith.mulf %mul3A_39, %mul3A_41 : vector<1000x128xf32>
    %slice3A_43 = vector.extract_strided_slice %get3A_4 {offsets = [2, 0], sizes = [1, 128], strides = [1, 1]} : vector<8x128xf32> to vector<1x128xf32>
    %add3A_44 = vector.broadcast %slice3A_43 : vector<1x128xf32> to vector<1000x128xf32>
    %add3A_45 = arith.addf %mul3A_42, %add3A_44 : vector<1000x128xf32>
    %get3A_46 = arith.constant 0 : index
    %get3A_47 = arith.constant 0 : index
    %get3A_48 = vector.load %arg4[%get3A_46, %get3A_47] : memref<128x128xf32, #tpu.memory_space<vmem>>, vector<128x128xf32>
    %dot_general3A = arith.constant dense<0.000000e+00> : vector<1000x128xf32>
    %dot_general3A_49 = tpu.matmul %add3A_45, %get3A_48, %dot_general3A {dimension_numbers = #tpu.dot_dimension_numbers<[1], [0], [0], [1], [0, 0, 1, 1], [], []>, transpose_lhs_hint = false} : vector<1000x128xf32>, vector<128x128xf32>, vector<1000x128xf32> -> vector<1000x128xf32>
    %mul3A_50 = vector.broadcast %slice3A : vector<1000x1xf32> to vector<1000x128xf32>
    %mul3A_51 = arith.mulf %dot_general3A_49, %mul3A_50 : vector<1000x128xf32>
    %slice3A_52 = vector.extract_strided_slice %mul3A_51 {offsets = [0, 0], sizes = [1000, 64], strides = [1, 1]} : vector<1000x128xf32> to vector<1000x64xf32>
    %swap3A = arith.constant 0 : index
    %swap3A_53 = arith.constant 0 : index
    %swap3A_54 = arith.constant 0 : index
    %swap3A_55 = vector.load %arg6[%swap3A, %swap3A_53, %swap3A_54] : memref<2x1000x64xf32, #tpu.memory_space<vmem>>, vector<1x1000x64xf32>
    %swap3A_56 = vector.shape_cast %swap3A_55 : vector<1x1000x64xf32> to vector<1000x64xf32>
    %swap3A_57 = vector.shape_cast %slice3A_52 : vector<1000x64xf32> to vector<1x1000x64xf32>
    tpu.vector_store %arg6[%swap3A, %swap3A_53, %swap3A_54], %swap3A_57 {strides = array<i32>} : memref<2x1000x64xf32, #tpu.memory_space<vmem>>, vector<1x1000x64xf32>,
    %slice3A_58 = vector.extract_strided_slice %mul3A_51 {offsets = [0, 64], sizes = [1000, 64], strides = [1, 1]} : vector<1000x128xf32> to vector<1000x64xf32>
    %swap3A_59 = arith.constant 1 : index
    %swap3A_60 = arith.constant 0 : index
    %swap3A_61 = arith.constant 0 : index
    %swap3A_62 = vector.load %arg6[%swap3A_59, %swap3A_60, %swap3A_61] : memref<2x1000x64xf32, #tpu.memory_space<vmem>>, vector<1x1000x64xf32>
    %swap3A_63 = vector.shape_cast %swap3A_62 : vector<1x1000x64xf32> to vector<1000x64xf32>
    %swap3A_64 = vector.shape_cast %slice3A_58 : vector<1000x64xf32> to vector<1x1000x64xf32>
    tpu.vector_store %arg6[%swap3A_59, %swap3A_60, %swap3A_61], %swap3A_64 {strides = array<i32>} : memref<2x1000x64xf32, #tpu.memory_space<vmem>>, vector<1x1000x64xf32>,
    return
  }
  func.func @transform_0(%arg0: i32) -> (i32, i32, i32) {
    %c0_i32 = arith.constant 0 : i32
    %c0_i32_0 = arith.constant 0 : i32
    %c0_i32_1 = arith.constant 0 : i32
    return %c0_i32, %arg0, %c0_i32_0 : i32, i32, i32
  }
  func.func @transform_1(%arg0: i32) -> (i32, i32, i32) {
    %c0_i32 = arith.constant 0 : i32
    %c0_i32_0 = arith.constant 0 : i32
    %c0_i32_1 = arith.constant 0 : i32
    return %c0_i32, %arg0, %c0_i32_0 : i32, i32, i32
  }
  func.func @transform_2(%arg0: i32) -> (i32, i32) {
    %c0_i32 = arith.constant 0 : i32
    %c0_i32_0 = arith.constant 0 : i32
    return %arg0, %c0_i32 : i32, i32
  }
  func.func @transform_3(%arg0: i32) -> (i32, i32) {
    %c0_i32 = arith.constant 0 : i32
    %c0_i32_0 = arith.constant 0 : i32
    %c0_i32_1 = arith.constant 0 : i32
    return %c0_i32, %c0_i32_0 : i32, i32
  }
  func.func @transform_4(%arg0: i32) -> (i32, i32) {
    %c0_i32 = arith.constant 0 : i32
    %c0_i32_0 = arith.constant 0 : i32
    %c0_i32_1 = arith.constant 0 : i32
    return %c0_i32, %c0_i32_0 : i32, i32
  }
  func.func @transform_5(%arg0: i32) -> (i32, i32, i32) {
    %c0_i32 = arith.constant 0 : i32
    %c0_i32_0 = arith.constant 0 : i32
    %c0_i32_1 = arith.constant 0 : i32
    return %c0_i32, %arg0, %c0_i32_0 : i32, i32, i32
  }
}

module attributes {stable_mosaic.version = 14 : i64} {
  func.func @_head_body(%arg0: i32, %arg1: memref<2x1000x64xf32, #tpu.memory_space<vmem>>, %arg2: memref<2x1000x64xf32, #tpu.memory_space<vmem>>, %arg3: memref<1000x8xf32, #tpu.memory_space<vmem>>, %arg4: memref<128x128xf32, #tpu.memory_space<vmem>>, %arg5: memref<128x128xf32, #tpu.memory_space<vmem>>, %arg6: memref<128x8xf32, #tpu.memory_space<vmem>>, %arg7: memref<16x128xf32, #tpu.memory_space<vmem>>, %arg8: memref<1000x8xf32, #tpu.memory_space<vmem>>) attributes {dimension_semantics = [#tpu.dimension_semantics<arbitrary>], iteration_bounds = array<i64: 10>, scalar_prefetch = 0 : i64, scratch_operands = 0 : i64, tpu.core_type = #tpu.core_type<tc>, window_params = [{transform_indices = @transform_0, window_bounds = array<i64: 2, 1000, 64>}, {transform_indices = @transform_1, window_bounds = array<i64: 2, 1000, 64>}, {transform_indices = @transform_2, window_bounds = array<i64: 1000, 8>}, {pipeline_mode = #tpu.pipeline_mode<synchronous>, transform_indices = @transform_3, window_bounds = array<i64: 128, 128>}, {pipeline_mode = #tpu.pipeline_mode<synchronous>, transform_indices = @transform_4, window_bounds = array<i64: 128, 128>}, {pipeline_mode = #tpu.pipeline_mode<synchronous>, transform_indices = @transform_5, window_bounds = array<i64: 128, 8>}, {pipeline_mode = #tpu.pipeline_mode<synchronous>, transform_indices = @transform_6, window_bounds = array<i64: 16, 128>}, {transform_indices = @transform_7, window_bounds = array<i64: 1000, 8>}]} {
    %get3A = arith.constant 0 : index
    %get3A_0 = arith.constant 0 : index
    %get3A_1 = vector.load %arg3[%get3A, %get3A_0] : memref<1000x8xf32, #tpu.memory_space<vmem>>, vector<1000x8xf32>
    %slice3A = vector.extract_strided_slice %get3A_1 {offsets = [0, 0], sizes = [1000, 1], strides = [1, 1]} : vector<1000x8xf32> to vector<1000x1xf32>
    %get3A_2 = arith.constant 0 : index
    %get3A_3 = arith.constant 0 : index
    %get3A_4 = vector.load %arg7[%get3A_2, %get3A_3] : memref<16x128xf32, #tpu.memory_space<vmem>>, vector<16x128xf32>
    %get3A_5 = arith.constant 0 : index
    %get3A_6 = arith.constant 0 : index
    %get3A_7 = arith.constant 0 : index
    %get3A_8 = vector.load %arg1[%get3A_5, %get3A_6, %get3A_7] : memref<2x1000x64xf32, #tpu.memory_space<vmem>>, vector<1x1000x64xf32>
    %get3A_9 = vector.shape_cast %get3A_8 : vector<1x1000x64xf32> to vector<1000x64xf32>
    %get3A_10 = arith.constant 1 : index
    %get3A_11 = arith.constant 0 : index
    %get3A_12 = arith.constant 0 : index
    %get3A_13 = vector.load %arg1[%get3A_10, %get3A_11, %get3A_12] : memref<2x1000x64xf32, #tpu.memory_space<vmem>>, vector<1x1000x64xf32>
    %get3A_14 = vector.shape_cast %get3A_13 : vector<1x1000x64xf32> to vector<1000x64xf32>
    %concatenate3A = tpu.concatenate %get3A_9, %get3A_14 in 1 : vector<1000x64xf32>, vector<1000x64xf32> -> vector<1000x128xf32>
    %get3A_15 = arith.constant 0 : index
    %get3A_16 = arith.constant 0 : index
    %get3A_17 = arith.constant 0 : index
    %get3A_18 = vector.load %arg2[%get3A_15, %get3A_16, %get3A_17] : memref<2x1000x64xf32, #tpu.memory_space<vmem>>, vector<1x1000x64xf32>
    %get3A_19 = vector.shape_cast %get3A_18 : vector<1x1000x64xf32> to vector<1000x64xf32>
    %get3A_20 = arith.constant 1 : index
    %get3A_21 = arith.constant 0 : index
    %get3A_22 = arith.constant 0 : index
    %get3A_23 = vector.load %arg2[%get3A_20, %get3A_21, %get3A_22] : memref<2x1000x64xf32, #tpu.memory_space<vmem>>, vector<1x1000x64xf32>
    %get3A_24 = vector.shape_cast %get3A_23 : vector<1x1000x64xf32> to vector<1000x64xf32>
    %concatenate3A_25 = tpu.concatenate %get3A_19, %get3A_24 in 1 : vector<1000x64xf32>, vector<1000x64xf32> -> vector<1000x128xf32>
    %add3A = arith.addf %concatenate3A, %concatenate3A_25 : vector<1000x128xf32>
    %mul3A = vector.broadcast %slice3A : vector<1000x1xf32> to vector<1000x128xf32>
    %mul3A_26 = arith.mulf %add3A, %mul3A : vector<1000x128xf32>
    %slice3A_27 = vector.extract_strided_slice %get3A_4 {offsets = [0, 0], sizes = [1, 128], strides = [1, 1]} : vector<16x128xf32> to vector<1x128xf32>
    %add3A_28 = vector.broadcast %slice3A_27 : vector<1x128xf32> to vector<1000x128xf32>
    %add3A_29 = arith.addf %mul3A_26, %add3A_28 : vector<1000x128xf32>
    %max3A = arith.constant 0.000000e+00 : f32
    %max3A_30 = vector.broadcast %max3A : f32 to vector<1000x128xf32>
    %max3A_31 = arith.maximumf %add3A_29, %max3A_30 : vector<1000x128xf32>
    %slice3A_32 = vector.extract_strided_slice %get3A_4 {offsets = [3, 0], sizes = [1, 128], strides = [1, 1]} : vector<16x128xf32> to vector<1x128xf32>
    %sub3A = vector.broadcast %slice3A_32 : vector<1x128xf32> to vector<1000x128xf32>
    %sub3A_33 = arith.subf %max3A_31, %sub3A : vector<1000x128xf32>
    %slice3A_34 = vector.extract_strided_slice %get3A_4 {offsets = [4, 0], sizes = [1, 128], strides = [1, 1]} : vector<16x128xf32> to vector<1x128xf32>
    %add3A_35 = arith.constant 9.99999974E-6 : f32
    %add3A_36 = vector.broadcast %add3A_35 : f32 to vector<1x128xf32>
    %add3A_37 = arith.addf %slice3A_34, %add3A_36 : vector<1x128xf32>
    %rsqrt3A = math.rsqrt %add3A_37 : vector<1x128xf32>
    %mul3A_38 = vector.broadcast %rsqrt3A : vector<1x128xf32> to vector<1000x128xf32>
    %mul3A_39 = arith.mulf %sub3A_33, %mul3A_38 : vector<1000x128xf32>
    %slice3A_40 = vector.extract_strided_slice %get3A_4 {offsets = [1, 0], sizes = [1, 128], strides = [1, 1]} : vector<16x128xf32> to vector<1x128xf32>
    %mul3A_41 = vector.broadcast %slice3A_40 : vector<1x128xf32> to vector<1000x128xf32>
    %mul3A_42 = arith.mulf %mul3A_39, %mul3A_41 : vector<1000x128xf32>
    %slice3A_43 = vector.extract_strided_slice %get3A_4 {offsets = [2, 0], sizes = [1, 128], strides = [1, 1]} : vector<16x128xf32> to vector<1x128xf32>
    %add3A_44 = vector.broadcast %slice3A_43 : vector<1x128xf32> to vector<1000x128xf32>
    %add3A_45 = arith.addf %mul3A_42, %add3A_44 : vector<1000x128xf32>
    %get3A_46 = arith.constant 0 : index
    %get3A_47 = arith.constant 0 : index
    %get3A_48 = vector.load %arg4[%get3A_46, %get3A_47] : memref<128x128xf32, #tpu.memory_space<vmem>>, vector<128x128xf32>
    %dot_general3A = arith.constant dense<0.000000e+00> : vector<1000x128xf32>
    %dot_general3A_49 = tpu.matmul %add3A_45, %get3A_48, %dot_general3A {dimension_numbers = #tpu.dot_dimension_numbers<[1], [0], [0], [1], [0, 0, 1, 1], [], []>, transpose_lhs_hint = false} : vector<1000x128xf32>, vector<128x128xf32>, vector<1000x128xf32> -> vector<1000x128xf32>
    %slice3A_50 = vector.extract_strided_slice %get3A_4 {offsets = [5, 0], sizes = [1, 128], strides = [1, 1]} : vector<16x128xf32> to vector<1x128xf32>
    %add3A_51 = vector.broadcast %slice3A_50 : vector<1x128xf32> to vector<1000x128xf32>
    %add3A_52 = arith.addf %dot_general3A_49, %add3A_51 : vector<1000x128xf32>
    %slice3A_53 = vector.extract_strided_slice %get3A_4 {offsets = [8, 0], sizes = [1, 128], strides = [1, 1]} : vector<16x128xf32> to vector<1x128xf32>
    %sub3A_54 = vector.broadcast %slice3A_53 : vector<1x128xf32> to vector<1000x128xf32>
    %sub3A_55 = arith.subf %add3A_52, %sub3A_54 : vector<1000x128xf32>
    %slice3A_56 = vector.extract_strided_slice %get3A_4 {offsets = [9, 0], sizes = [1, 128], strides = [1, 1]} : vector<16x128xf32> to vector<1x128xf32>
    %add3A_57 = arith.constant 9.99999974E-6 : f32
    %add3A_58 = vector.broadcast %add3A_57 : f32 to vector<1x128xf32>
    %add3A_59 = arith.addf %slice3A_56, %add3A_58 : vector<1x128xf32>
    %rsqrt3A_60 = math.rsqrt %add3A_59 : vector<1x128xf32>
    %mul3A_61 = vector.broadcast %rsqrt3A_60 : vector<1x128xf32> to vector<1000x128xf32>
    %mul3A_62 = arith.mulf %sub3A_55, %mul3A_61 : vector<1000x128xf32>
    %slice3A_63 = vector.extract_strided_slice %get3A_4 {offsets = [6, 0], sizes = [1, 128], strides = [1, 1]} : vector<16x128xf32> to vector<1x128xf32>
    %mul3A_64 = vector.broadcast %slice3A_63 : vector<1x128xf32> to vector<1000x128xf32>
    %mul3A_65 = arith.mulf %mul3A_62, %mul3A_64 : vector<1000x128xf32>
    %slice3A_66 = vector.extract_strided_slice %get3A_4 {offsets = [7, 0], sizes = [1, 128], strides = [1, 1]} : vector<16x128xf32> to vector<1x128xf32>
    %add3A_67 = vector.broadcast %slice3A_66 : vector<1x128xf32> to vector<1000x128xf32>
    %add3A_68 = arith.addf %mul3A_65, %add3A_67 : vector<1000x128xf32>
    %max3A_69 = arith.constant 0.000000e+00 : f32
    %max3A_70 = vector.broadcast %max3A_69 : f32 to vector<1000x128xf32>
    %max3A_71 = arith.maximumf %add3A_68, %max3A_70 : vector<1000x128xf32>
    %get3A_72 = arith.constant 0 : index
    %get3A_73 = arith.constant 0 : index
    %get3A_74 = vector.load %arg5[%get3A_72, %get3A_73] : memref<128x128xf32, #tpu.memory_space<vmem>>, vector<128x128xf32>
    %dot_general3A_75 = arith.constant dense<0.000000e+00> : vector<1000x128xf32>
    %dot_general3A_76 = tpu.matmul %max3A_71, %get3A_74, %dot_general3A_75 {dimension_numbers = #tpu.dot_dimension_numbers<[1], [0], [0], [1], [0, 0, 1, 1], [], []>, transpose_lhs_hint = false} : vector<1000x128xf32>, vector<128x128xf32>, vector<1000x128xf32> -> vector<1000x128xf32>
    %slice3A_77 = vector.extract_strided_slice %get3A_4 {offsets = [10, 0], sizes = [1, 128], strides = [1, 1]} : vector<16x128xf32> to vector<1x128xf32>
    %add3A_78 = vector.broadcast %slice3A_77 : vector<1x128xf32> to vector<1000x128xf32>
    %add3A_79 = arith.addf %dot_general3A_76, %add3A_78 : vector<1000x128xf32>
    %slice3A_80 = vector.extract_strided_slice %get3A_4 {offsets = [13, 0], sizes = [1, 128], strides = [1, 1]} : vector<16x128xf32> to vector<1x128xf32>
    %sub3A_81 = vector.broadcast %slice3A_80 : vector<1x128xf32> to vector<1000x128xf32>
    %sub3A_82 = arith.subf %add3A_79, %sub3A_81 : vector<1000x128xf32>
    %slice3A_83 = vector.extract_strided_slice %get3A_4 {offsets = [14, 0], sizes = [1, 128], strides = [1, 1]} : vector<16x128xf32> to vector<1x128xf32>
    %add3A_84 = arith.constant 9.99999974E-6 : f32
    %add3A_85 = vector.broadcast %add3A_84 : f32 to vector<1x128xf32>
    %add3A_86 = arith.addf %slice3A_83, %add3A_85 : vector<1x128xf32>
    %rsqrt3A_87 = math.rsqrt %add3A_86 : vector<1x128xf32>
    %mul3A_88 = vector.broadcast %rsqrt3A_87 : vector<1x128xf32> to vector<1000x128xf32>
    %mul3A_89 = arith.mulf %sub3A_82, %mul3A_88 : vector<1000x128xf32>
    %slice3A_90 = vector.extract_strided_slice %get3A_4 {offsets = [11, 0], sizes = [1, 128], strides = [1, 1]} : vector<16x128xf32> to vector<1x128xf32>
    %mul3A_91 = vector.broadcast %slice3A_90 : vector<1x128xf32> to vector<1000x128xf32>
    %mul3A_92 = arith.mulf %mul3A_89, %mul3A_91 : vector<1000x128xf32>
    %slice3A_93 = vector.extract_strided_slice %get3A_4 {offsets = [12, 0], sizes = [1, 128], strides = [1, 1]} : vector<16x128xf32> to vector<1x128xf32>
    %add3A_94 = vector.broadcast %slice3A_93 : vector<1x128xf32> to vector<1000x128xf32>
    %add3A_95 = arith.addf %mul3A_92, %add3A_94 : vector<1000x128xf32>
    %max3A_96 = arith.constant 0.000000e+00 : f32
    %max3A_97 = vector.broadcast %max3A_96 : f32 to vector<1000x128xf32>
    %max3A_98 = arith.maximumf %add3A_95, %max3A_97 : vector<1000x128xf32>
    %get3A_99 = arith.constant 0 : index
    %get3A_100 = arith.constant 0 : index
    %get3A_101 = vector.load %arg6[%get3A_99, %get3A_100] : memref<128x8xf32, #tpu.memory_space<vmem>>, vector<128x8xf32>
    %dot_general3A_102 = arith.constant dense<0.000000e+00> : vector<1000x8xf32>
    %dot_general3A_103 = tpu.matmul %max3A_98, %get3A_101, %dot_general3A_102 {dimension_numbers = #tpu.dot_dimension_numbers<[1], [0], [0], [1], [0, 0, 1, 1], [], []>, transpose_lhs_hint = false} : vector<1000x128xf32>, vector<128x8xf32>, vector<1000x8xf32> -> vector<1000x8xf32>
    %slice3A_104 = vector.extract_strided_slice %get3A_4 {offsets = [15, 0], sizes = [1, 8], strides = [1, 1]} : vector<16x128xf32> to vector<1x8xf32>
    %add3A_105 = vector.broadcast %slice3A_104 : vector<1x8xf32> to vector<1000x8xf32>
    %add3A_106 = arith.addf %dot_general3A_103, %add3A_105 : vector<1000x8xf32>
    %swap3A = arith.constant 0 : index
    %swap3A_107 = arith.constant 0 : index
    %swap3A_108 = vector.load %arg8[%swap3A, %swap3A_107] : memref<1000x8xf32, #tpu.memory_space<vmem>>, vector<1000x8xf32>
    tpu.vector_store %arg8[%swap3A, %swap3A_107], %add3A_106 {strides = array<i32>} : memref<1000x8xf32, #tpu.memory_space<vmem>>, vector<1000x8xf32>,
    return
  }
  func.func @transform_0(%arg0: i32) -> (i32, i32, i32) {
    %c0_i32 = arith.constant 0 : i32
    %c0_i32_0 = arith.constant 0 : i32
    %c0_i32_1 = arith.constant 0 : i32
    return %c0_i32, %arg0, %c0_i32_0 : i32, i32, i32
  }
  func.func @transform_1(%arg0: i32) -> (i32, i32, i32) {
    %c0_i32 = arith.constant 0 : i32
    %c0_i32_0 = arith.constant 0 : i32
    %c0_i32_1 = arith.constant 0 : i32
    return %c0_i32, %arg0, %c0_i32_0 : i32, i32, i32
  }
  func.func @transform_2(%arg0: i32) -> (i32, i32) {
    %c0_i32 = arith.constant 0 : i32
    %c0_i32_0 = arith.constant 0 : i32
    return %arg0, %c0_i32 : i32, i32
  }
  func.func @transform_3(%arg0: i32) -> (i32, i32) {
    %c0_i32 = arith.constant 0 : i32
    %c0_i32_0 = arith.constant 0 : i32
    %c0_i32_1 = arith.constant 0 : i32
    return %c0_i32, %c0_i32_0 : i32, i32
  }
  func.func @transform_4(%arg0: i32) -> (i32, i32) {
    %c0_i32 = arith.constant 0 : i32
    %c0_i32_0 = arith.constant 0 : i32
    %c0_i32_1 = arith.constant 0 : i32
    return %c0_i32, %c0_i32_0 : i32, i32
  }
  func.func @transform_5(%arg0: i32) -> (i32, i32) {
    %c0_i32 = arith.constant 0 : i32
    %c0_i32_0 = arith.constant 0 : i32
    %c0_i32_1 = arith.constant 0 : i32
    return %c0_i32, %c0_i32_0 : i32, i32
  }
  func.func @transform_6(%arg0: i32) -> (i32, i32) {
    %c0_i32 = arith.constant 0 : i32
    %c0_i32_0 = arith.constant 0 : i32
    %c0_i32_1 = arith.constant 0 : i32
    return %c0_i32, %c0_i32_0 : i32, i32
  }
  func.func @transform_7(%arg0: i32) -> (i32, i32) {
    %c0_i32 = arith.constant 0 : i32
    %c0_i32_0 = arith.constant 0 : i32
    return %arg0, %c0_i32 : i32, i32
  }
}

</mosaic_0001>

<sc_bundles>
// kernel: closed_call.15.cloned.1.call-start
scs
__scs_entry_jumppad:
0x0: {  	(pc) =	sbr.rel $0x88, $3  }
0x1: {  	(tag) =	ssettag $0x0;
	lr =	simm.s32 $0x1  }
0x2: {  	[smem:$0x3F89] =	sst lr;
	_ =	strace $0xD0000000  }
0x3: {  	_ = 	snop  }
0x4: {  	_ = 	snop  }
0x5: {  	_ = 	snop  }
0x6: {  	_ = 	snop  }
0x7: {  	_ = 	snop  }
__scs_overlays_trampoline_lowered:
0x8: {  	[smem:$0x3F98] =	sst s0  }
0x9: {  	[smem:$0x3F99] =	sst s1  }
0xa: {  	[smem:$0x3F9A] =	sst s2  }
0xb: {  	[smem:$0x3F9B] =	sst s3  }
0xc: {  	[smem:$0x3F9C] =	sst s4  }
0xd: {  	[smem:$0x3F9D] =	sst s5  }
0xe: {  	[smem:$0x3F9E] =	sst s6  }
0xf: {  	[smem:$0x3F9F] =	sst s7  }
0x10: {  	[smem:$0x3FA0] =	sst s8  }
0x11: {  	[smem:$0x3FA1] =	sst s9;
	s0 =	simm.s32 @!p0 $0x0  }
0x12: {  	s1 =	sld [smem:$0x3F87];
	s0 =	simm.s32 @p0 $0x1  }
0x13: {  	[smem:$0x3FA2] =	sst s0;
	s0 =	simm.s32 @!p1 $0x0  }
0x14: {  	s2 =	sld [smem:$0x3F86];
	s0 =	simm.s32 @p1 $0x1  }
0x15: {  	[smem:$0x3FA3] =	sst s0;
	s0 =	simm.s32 @!p2 $0x0  }
0x16: {  	s3 =	sld [smem:$0x3FDB];
	s0 =	simm.s32 @p2 $0x1  }
0x17: {  	s4 =	simm.s32 $0x1BF5;
	[smem:$0x3FA5] =	sst s0  }
0x18: {  	s0 =	sld [smem:$0x3F88];
	_ =	swait.ge [sflag:s4], $0x0  }
0x19: {  	s7 =	sld [smem:$0x3F89]  }
0x1a: {  	s8 =	sadd.s32 $0xFFFFE003, lr  }
0x1b: {  	s9 =	sadd.s32 $0xFFFFFEF7, lr;
	s5 =	simm.s32 $0xFFFFFFFF;
	p2 =	slt.u32 s8, $0xFFFFF086  }
0x1c: {  	p1 =	slt.u32 s9, $0xF7A;
	s5 =	simm.s32 @!p2 $0x0  }
0x1d: {  	s5 =	simm.s32 @p1 $0x1;
	p0 =	seq.s32 s7, s2  }
0x1e: {  	s7 =	smul.u32 @!p0 $0xF7A, s2;
	p2 =	seq.s32 @!p0 s5, $0x0  }
0x1f: {  	s9 =	smul.u32 $0xF7A, s1;
	s8 =	simm.s32 @!p0 $0x1BF5;
	p2 =	por !p2, p0  }
0x20: {  	[sflag:s8] =	ssyncset.s32 @!p0 $0xFFFFF086;
	s6 =	sadd.s32 @!p0 s3, s7;
	s7 =	simm.s32 @!p0 $0x108  }
0x21: {  	s3 =	sadd.s32 s3, s9;
	s6 =	sadd.s32 @!p0 $0x88, s6;
	s7 =	simm.s32 @p2 $0x1082  }
0x22: {  	[simem:s7], [sflag:s8] =	dma.local @!p0 [hbm:s6], $0xF7A  }
0x23: {  	s9 =	sor.u32 $0xD0000000, s2;
	s6 =	simm.s32 $0x108;
	_ =	swait.ge @!p0 [sflag:s8], $0x0  }
0x24: {  	s3 =	sadd.s32 $0x88, s3;
	s6 =	simm.s32 @!p1 $0x1082;
	[sflag:s4] =	ssyncset.s32 $0xFFFFF086  }
0x25: {  	[simem:s6], [sflag:s4] =	dma.local [hbm:s3], $0xF7A  }
0x26: {  	[smem:$0x3F89] =	sst s1;
	(tag) =	ssettag s2;
	_ =	strace s9  }
0x27: {  	s1 =	sld [smem:$0x3F99]  }
0x28: {  	s2 =	sld [smem:$0x3F9A]  }
0x29: {  	s4 =	sld [smem:$0x3F9C]  }
0x2a: {  	p0 =	seq.s32 s5, $0x0;
	s5 =	sld [smem:$0x3F9D]  }
0x2b: {  	s6 =	sld [smem:$0x3F9E]  }
0x2c: {  	s7 =	sld [smem:$0x3F9F]  }
0x2d: {  	s3 =	simm.s32 $0x108;
	s8 =	sld [smem:$0x3FA0]  }
0x2e: {  	s3 =	simm.s32 @!p0 $0x1082;
	s9 =	sld [smem:$0x3FA1]  }
0x2f: {  	lr =	sadd.s32 s0, s3;
	s0 =	sld [smem:$0x3F98]  }
0x30: {  	s3 =	sld [smem:$0x3F9B]  }
0x31: {  	[smem:$0x3FA4] =	sst s10  }
0x32: {  	s10 =	sld [smem:$0x3FA2];
	_ =	sdelay $0x3  }
0x33: {  	p0 =	seq.s32 s10, $0x1;
	s10 =	sld [smem:$0x3FA4];
	_ =	sdelay $0x3  }
0x34: {  	[smem:$0x3FA4] =	sst s10  }
0x35: {  	s10 =	sld [smem:$0x3FA3];
	_ =	sdelay $0x3  }
0x36: {  	p1 =	seq.s32 s10, $0x1;
	s10 =	sld [smem:$0x3FA4];
	_ =	sdelay $0x3  }
0x37: {  	[smem:$0x3FA4] =	sst s10  }
0x38: {  	s10 =	sld [smem:$0x3FA5]  }
0x39: {  	_ = 	snop;
	(pc) =	sbr.ind lr, $3  }
0x3a: {  	_ = 	snop  }
0x3b: {  	_ = 	snop  }
0x3c: {  	p2 =	seq.s32 s10, $0x1;
	s10 =	sld [smem:$0x3FA4]  }
0x3d: {  	_ =	shalt  }
0x3e: {  	_ =	shalt  }
0x3f: {  	_ =	shalt  }
0x40: {  	_ =	shalt  }
0x41: {  	_ =	shalt  }
0x42: {  	_ =	shalt  }
0x43: {  	_ =	shalt  }
0x44: {  	_ =	shalt  }
0x45: {  	_ =	shalt  }
0x46: {  	_ =	shalt  }
0x47: {  	_ =	shalt  }
0x48: {  	_ =	shalt  }
0x49: {  	_ =	shalt  }
0x4a: {  	_ =	shalt  }
0x4b: {  	_ =	shalt  }
0x4c: {  	_ =	shalt  }
0x4d: {  	_ =	shalt  }
0x4e: {  	_ =	shalt  }
0x4f: {  	_ =	shalt  }
0x50: {  	_ =	shalt  }
0x51: {  	_ =	shalt  }
0x52: {  	_ =	shalt  }
0x53: {  	_ =	shalt  }
0x54: {  	_ =	shalt  }
0x55: {  	_ =	shalt  }
0x56: {  	_ =	shalt  }
0x57: {  	_ =	shalt  }
0x58: {  	_ =	shalt  }
0x59: {  	_ =	shalt  }
0x5a: {  	_ =	shalt  }
0x5b: {  	_ =	shalt  }
0x5c: {  	_ =	shalt  }
0x5d: {  	_ =	shalt  }
0x5e: {  	_ =	shalt  }
0x5f: {  	_ =	shalt  }
0x60: {  	_ =	shalt  }
0x61: {  	_ =	shalt  }
0x62: {  	_ =	shalt  }
0x63: {  	_ =	shalt  }
0x64: {  	_ =	shalt  }
0x65: {  	_ =	shalt  }
0x66: {  	_ =	shalt  }
0x67: {  	_ =	shalt  }
0x68: {  	_ =	shalt  }
0x69: {  	_ =	shalt  }
0x6a: {  	_ =	shalt  }
0x6b: {  	_ =	shalt  }
0x6c: {  	_ =	shalt  }
0x6d: {  	_ =	shalt  }
0x6e: {  	_ =	shalt  }
0x6f: {  	_ =	shalt  }
0x70: {  	_ =	shalt  }
0x71: {  	_ =	shalt  }
0x72: {  	_ =	shalt  }
0x73: {  	_ =	shalt  }
0x74: {  	_ =	shalt  }
0x75: {  	_ =	shalt  }
0x76: {  	_ =	shalt  }
0x77: {  	_ =	shalt  }
0x78: {  	_ =	shalt  }
0x79: {  	_ =	shalt  }
0x7a: {  	_ =	shalt  }
0x7b: {  	_ =	shalt  }
0x7c: {  	_ =	shalt  }
0x7d: {  	_ =	shalt  }
0x7e: {  	_ =	shalt  }
0x7f: {  	_ =	shalt  }
0x80: {  	_ =	shalt  }
0x81: {  	_ =	shalt  }
0x82: {  	_ =	shalt  }
0x83: {  	_ =	shalt  }
0x84: {  	_ =	shalt  }
0x85: {  	_ =	shalt  }
0x86: {  	_ =	shalt  }
0x87: {  	_ =	shalt  }
.Lfunc_end0:
.L_simem_size_0:
called_computation_lowered:
.L_overlay_start_0:
0x88: {  	s2 =	sld [smem:$0x3FD9]  }
0x89: {  	s3 =	sld [smem:$0x3FFE];
	_ =	sdelay $0x1  }
0x8a: {  	s1 =	srdreg.scid  }
0x8b: {  	s0 =	sand.u32 $0x1, s1  }
0x8c: {  	s16 =	sshll.u32 s0, $0xA;
	s2 =	sadd.s32 s3, s2  }
0x8d: {  	s2 =	sadd.s32 s2, s16  }
0x8e: {  	[smem:$0x3FB0] =	sst s2  }
0x8f: {  	_ = 	snop  }
0x90: {  	(tm) =	ssettm $0x1  }
0x91: {  	s17 =	sld [smem:$0x3FFB];
	_ =	sdelay $0x3  }
0x92: {  	_ =	strace s17  }
0x93: {  	s2 =	sld [smem:$0x3FFC];
	_ =	sdelay $0x3  }
0x94: {  	_ =	strace s2  }
0x95: {  	s2 =	sld [smem:$0x3FFD];
	_ =	sdelay $0x3  }
0x96: {  	_ =	strace s2  }
0x97: {  	_ =	strace $0x8FFFFFFF  }
0x98: {  	s18 =	sld [smem:$0x3FDB];
	_ =	sdelay $0x1  }
0x99: {  	s19 =	simm.s32 $_scs_section_size  }
0x9a: {  	s4 =	simm.s32 $_size__tile_overlayer_lowered;
	s5 =	simm.s32 $_tile_overlayer_lowered  }
0x9b: {  	s22 =	simm.s32 $0x1BFF;
	s21 =	sshll.u32 s5, $0x1;
	s2 =	sadd.s32 s19, s18  }
0x9c: {  	s6 =	simm.s32 $0x0;
	s20 =	sshll.u32 s4, $0x1;
	s4 =	sadd.s32 s21, s2  }
0x9d: {  	[timem:s6], [sflag:s22] =	dma.local [hbm:s4], s20  }
0x9e: {  	_ =	swait.ge [sflag:s22], s20  }
0x9f: {  	s3 =	ssub.s32 $0x0, s20;
	[sflag:s22] =	ssyncset.done $0x0  }
0xa0: {  	[sflag:s22] =	ssyncadd.s32 s3;
	_ =	sdelay $0x1  }
0xa1: {  	s23 =	simm.s32 $0x1B8B  }
0xa2: {  	_ =	swait.ge [sflag:s23], $0x1  }
0xa3: {  	[sflag:s23] =	ssyncset.done $0x0  }
0xa4: {  	s25 =	simm.s32 $0x1B8E;
	s24 =	sld [smem:$0x3FFE];
	[sflag:s23] =	ssyncadd.s32 $0xFFFFFFFF  }
0xa5: {  	s26 =	simm.s32 $execute0_lowered;
	[smem:$0x3FD2] =	sst s25  }
0xa6: {  	s4 =	sshll.u32 s26, $0x1;
	_ =	strace $0x80000049;
	[dreg:$0x1] =	wrdreg $0xFFFFFFFF  }
0xa7: {  	s28 =	simm.s32 $_size_execute0_lowered;
	s2 =	sadd.s32 s2, s4;
	[dreg:$0x0] =	wrdreg $0x0  }
0xa8: {  	s4 =	sshll.u32 s28, $0x1;
	[dreg:$0x2] =	wrdreg s2  }
0xa9: {  	[dreg:$0x3] =	wrdreg s4  }
0xaa: {  	[dreg:$0x4] =	wrdreg $0xC0  }
0xab: {  	_ =	task [dreg:s6], $0x5FFFF  }
0xac: {  	[dreg:$0x1] =	wrdreg $0xFFFFFFFF  }
0xad: {  	[dreg:$0x0] =	wrdreg $0x60  }
0xae: {  	[dreg:$0x2] =	wrdreg s24  }
0xaf: {  	[dreg:$0x3] =	wrdreg $0x47400  }
0xb0: {  	[dreg:$0x4] =	wrdreg $0x9  }
0xb1: {  	_ =	task.clear_ibuf [dreg:s6], $0x5FFFF;
	_ =	strace $0x90000049  }
0xb2: {  	s29 =	simm.s32 $0x9;
	_ =	strace $0x8000004B  }
0xb3: {  	_ =	swait.ge [sflag:s29], $0x1  }
0xb4: {  	[sflag:s29] =	ssyncadd.s32 $0xFFFFFFFF  }
0xb5: {  	_ =	strace $0x9000004B  }
0xb6: {  	_ =	sfence  }
0xb7: {  	s30 =	sld [smem:$0x0];
	_ =	sdelay $0x2  }
0xb8: {  	s31 =	sshll.u32 s1, $0xD;
	s1 =	sshrl.u32 s1, $0x2  }
0xb9: {  	s3 =	sand.u32 $0x4000, s31;
	s1 =	sadd.s32 s1, s30  }
0xba: {  	s0 =	sor.u32 s3, s0;
	s1 =	sshll.u32 s1, $0x11  }
0xbb: {  	s0 =	sor.u32 s1, s0  }
0xbc: {  	s0 =	sadd.s32 $0x8F2B, s0  }
0xbd: {  	[sflag:s0] =	ssyncadd.remote.s32 $0x1  }
0xbe: {  	_ =	sfence.sel $0xFFFF  }
0xbf: {  	[dreg:$0x0] =	wrdreg $0xFFFFFFFF;
	(pc) =	sbr.abs _section_cstart, $3  }
0xc0: {  	[dreg:$0x1] =	wrdreg $0xFFFFFFFF  }
0xc1: {  	_ =	task.clear_ibuf [dreg:s6], $0x2FFFF;
	_ =	strace $0x9FFFFFFF  }
0xc2: {  	(tm) =	ssettm $0x7FFFFFFF  }
0xc3: {  	_ =	shalt  }
tec
execute0_lowered:
.L_overlay_start_1:
0x0: {  	(tag) =	ssettag $0x1  }
0x1: {  	s8 =	rddreg [dreg:$0x0]  }
0x2: {  	s2 =	rddreg [dreg:$0x1]  }
0x3: {  	s0 =	rddreg [dreg:$0x2];
	s3 =	simm.s32 $0x0  }
0x4: {  	s4 =	srdreg.scid;
	s1 =	stileid.u32;
	s15 =	simm.s32 $0xFA0  }
0x5: {  	s16 =	simm.s32 $0x50;
	s17 =	simm.s32 $0x1F40;
	s18 =	simm.s32 $0x1  }
0x6: {  	s19 =	simm.s32 $0x3340;
	s20 =	simm.s32 $0x2;
	s21 =	simm.s32 $0xF50  }
0x7: {  	s22 =	simm.s32 $0x1EA0;
	s23 =	simm.s32 $0x1EF0;
	[smem:$0x7FF] =	sst s3  }
0x8: {  	s9 =	sand.u32 $0x1, s4;
	s10 =	smul.u32 $0xA000, s1;
	s4 =	sadd.s32 $0x15AE00, s8  }
0x9: {  	s5 =	sadd.s32 $0x97800, s8;
	s6 =	sadd.s32 $0x6A00, s8;
	s11 =	smul.u32 $0xA0000, s9  }
0xa: {  	s7 =	sadd.s32 $0x10800, s8;
	s31 =	sshll.u32 s1, $0x6;
	_ =	strace $0x8000004A  }
0xb: {  	s12 =	ssub.s32 $0x2, s9;
	s13 =	smul.u32 $0x4E200, s9;
	s11 =	sadd.s32 s10, s11  }
0xc: {  	s9 =	sor.u32 $0x1C03, s31;
	s30 =	sshrl.u32 s12, $0x1;
	s11 =	sshrl.u32 s11, $0x3  }
0xd: {  	s12 =	ssub.s32 s12, s30;
	s11 =	sadd.s32 s11, s8;
	s8 =	smul.u32 $0x4E20, s1  }
0xe: {  	s14 =	sadd.s32 s10, s2;
	s12 =	smax.u32 s12, $0x1;
	s11 =	sadd.s32 $0x182000, s11  }
0xf: {  	s10 =	sadd.s32 s13, s8;
	s13 =	sshrl.u32 s14, $0x3;
	s14 =	simm.s32 $0x3  }
.LBB2_1:
0x10: {  	[spmem:s13], [sflag:s9] =	dma.local [hbm:s7], $0x1400  }
0x11: {  	_ =	swait.ge [sflag:s14], $0x1400  }
0x12: {  	[sflag:s14] =	ssyncset.done $0x0  }
0x13: {  	[sflag:s14] =	ssyncadd.s32 $0xFFFFEC00  }
0x14: {  	s24 =	simm.s32 $0x0;
	[bflag:$0x0] =	sbarrier.arrive $0xFFFF  }
.LBB2_2:
0x15: {  	s25 =	smul.u32 $0xFA0, s24;
	_ =	sdelay $0x1  }
0x16: {  	s26 =	sadd.s32 s10, s25  }
0x17: {  	s26 =	sshrl.u32 s26, $0x3  }
0x18: {  	s28 =	simm.s32 $0x0;
	s26 =	sadd.s32 s5, s26  }
0x19: {  	[tilespmem:s28], [sflag:$0x3] =	stream.linear.gather [hbm4b:s26+s28], $0xFA0, $0x38;
	[tilespmem:$0xE740] =	vst v63  }
0x1a: {  	s25 =	sadd.s32 s8, s25;
	_ =	swait.ge [sflag:s14], $0xFA0  }
0x1b: {  	s25 =	sshrl.u32 s25, $0x3;
	[sflag:s14] =	ssyncset.done $0x0  }
0x1c: {  	s25 =	sadd.s32 s6, s25;
	[sflag:s14] =	ssyncadd.s32 $0xFFFFF060  }
0x1d: {  	[tilespmem:s15], [sflag:$0x3] =	stream.linear.gather [hbm4b:s25+s28], $0xFA0, $0x38;
	[tilespmem:$0xE740] =	vst v63  }
0x1e: {  	_ =	swait.ge [sflag:s14], $0xFA0  }
0x1f: {  	[sflag:s14] =	ssyncset.done $0x0  }
0x20: {  	[sflag:s14] =	ssyncadd.s32 $0xFFFFF060  }
0x21: {  	[tilespmem:s17], [sflag:$0x1] =	stream.indirect.gather [hbm4b:s4+s16], $0x40, s28, s16, $0xb8;
	[tilespmem:$0xE740] =	vst v63  }
0x22: {  	_ =	swait.ge [sflag:s18], $0x1400  }
0x23: {  	[sflag:s18] =	ssyncset.done $0x0  }
0x24: {  	s28 =	simm.s32 $0x50;
	[sflag:s18] =	ssyncadd.s32 $0xFFFFEC00  }
0x25: {  	[tilespmem:s19], [sflag:$0x2] =	stream.indirect.gather [hbm4b:s4+s16], $0x40, s28, s16, $0xb8;
	[tilespmem:$0xE740] =	vst v63  }
0x26: {  	s29 =	simm.s32 $0xFA0  }
0x27: {  	[spmem:s2] =	stream.indirect.scatter.add.f32 [tilespmem:s17], [sflag:$0x3], $0x40, s29, s16, $0xb8;
	[tilespmem:$0xE740] =	vst v63  }
0x28: {  	_ =	swait.ge [sflag:s14], $0x1400  }
0x29: {  	[sflag:s14] =	ssyncset.done $0x0  }
0x2a: {  	[sflag:s14] =	ssyncadd.s32 $0xFFFFEC00  }
0x2b: {  	_ =	swait.ge [sflag:s20], $0x1400  }
0x2c: {  	[sflag:s20] =	ssyncset.done $0x0  }
0x2d: {  	s30 =	simm.s32 $0xA0;
	[sflag:s20] =	ssyncadd.s32 $0xFFFFEC00  }
0x2e: {  	[tilespmem:s17], [sflag:$0x1] =	stream.indirect.gather [hbm4b:s4+s16], $0x40, s30, s16, $0xb8;
	[tilespmem:$0xE740] =	vst v63  }
0x2f: {  	s31 =	simm.s32 $0xFF0  }
0x30: {  	[spmem:s2] =	stream.indirect.scatter.add.f32 [tilespmem:s19], [sflag:$0x3], $0x40, s31, s16, $0xb8;
	[tilespmem:$0xE740] =	vst v63  }
0x31: {  	_ =	swait.ge [sflag:s14], $0x1400  }
0x32: {  	s25 =	simm.s32 $0x280;
	[sflag:s14] =	ssyncset.done $0x0  }
.LBB2_3:
0x33: {  	p0 =	sne.s32 s25, $0x3980  }
0x34: {  	[sflag:s14] =	ssyncadd.s32 $0xFFFFEC00;
	s26 =	smov.u32 s25;
	s25 =	sadd.s32 $0x280, s25  }
0x35: {  	_ = 	snop  }
0x36: {  	_ =	swait.ge [sflag:s18], $0x1400  }
0x37: {  	s26 =	sshra.s32 s26, $0x2;
	[sflag:s18] =	ssyncset.done $0x0  }
0x38: {  	s28 =	sadd.s32 $0x50, s26;
	[sflag:s18] =	ssyncadd.s32 $0xFFFFEC00  }
0x39: {  	[tilespmem:s19], [sflag:$0x2] =	stream.indirect.gather [hbm4b:s4+s16], $0x40, s28, s16, $0xb8;
	[tilespmem:$0xE740] =	vst v63  }
0x3a: {  	s28 =	sadd.s32 $0xFA0, s26  }
0x3b: {  	[spmem:s2] =	stream.indirect.scatter.add.f32 [tilespmem:s17], [sflag:$0x3], $0x40, s28, s16, $0xb8;
	[tilespmem:$0xE740] =	vst v63  }
0x3c: {  	_ =	swait.ge [sflag:s14], $0x1400  }
0x3d: {  	[sflag:s14] =	ssyncset.done $0x0  }
0x3e: {  	[sflag:s14] =	ssyncadd.s32 $0xFFFFEC00  }
0x3f: {  	_ =	swait.ge [sflag:s20], $0x1400  }
0x40: {  	[sflag:s20] =	ssyncset.done $0x0  }
0x41: {  	s28 =	sadd.s32 $0xA0, s26;
	[sflag:s20] =	ssyncadd.s32 $0xFFFFEC00  }
0x42: {  	[tilespmem:s17], [sflag:$0x1] =	stream.indirect.gather [hbm4b:s4+s16], $0x40, s28, s16, $0xb8;
	[tilespmem:$0xE740] =	vst v63  }
.Ltmp0:
0x43: {  	_ = 	snop;
	(pc) =	sbr.rel @p0 .LBB2_3-.Ltmp0, $4  }
0x44: {  	s26 =	sadd.s32 $0xFF0, s26  }
0x45: {  	[spmem:s2] =	stream.indirect.scatter.add.f32 [tilespmem:s19], [sflag:$0x3], $0x40, s26, s16, $0xb8;
	[tilespmem:$0xE740] =	vst v63  }
0x46: {  	_ =	swait.ge [sflag:s14], $0x1400  }
0x47: {  	[sflag:s14] =	ssyncset.done $0x0  }
0x48: {  	[sflag:s14] =	ssyncadd.s32 $0xFFFFEC00  }
0x49: {  	_ =	swait.ge [sflag:s18], $0x1400  }
0x4a: {  	[sflag:s18] =	ssyncset.done $0x0  }
0x4b: {  	[sflag:s18] =	ssyncadd.s32 $0xFFFFEC00  }
0x4c: {  	[tilespmem:s19], [sflag:$0x2] =	stream.indirect.gather [hbm4b:s4+s16], $0x40, s21, s16, $0xb8;
	[tilespmem:$0xE740] =	vst v63  }
0x4d: {  	_ = 	snop  }
0x4e: {  	[spmem:s2] =	stream.indirect.scatter.add.f32 [tilespmem:s17], [sflag:$0x3], $0x40, s22, s16, $0xb8;
	[tilespmem:$0xE740] =	vst v63  }
0x4f: {  	_ =	swait.ge [sflag:s14], $0x1400  }
0x50: {  	[sflag:s14] =	ssyncset.done $0x0  }
0x51: {  	[sflag:s14] =	ssyncadd.s32 $0xFFFFEC00  }
0x52: {  	s24 =	sadd.s32 $0x1, s24;
	_ =	swait.ge [sflag:s20], $0x1400  }
0x53: {  	p0 =	sne.s32 s24, $0x5;
	[sflag:s20] =	ssyncset.done $0x0  }
.Ltmp1:
0x54: {  	[sflag:s20] =	ssyncadd.s32 $0xFFFFEC00;
	(pc) =	sbr.rel @p0 .LBB2_2-.Ltmp1, $4  }
0x55: {  	[spmem:s2] =	stream.indirect.scatter.add.f32 [tilespmem:s19], [sflag:$0x3], $0x40, s23, s16, $0xb8;
	[tilespmem:$0xE740] =	vst v63  }
0x56: {  	_ =	swait.ge [sflag:s14], $0x1400  }
0x57: {  	[sflag:s14] =	ssyncset.done $0x0  }
0x58: {  	[sflag:s14] =	ssyncadd.s32 $0xFFFFEC00  }
0x59: {  	s3 =	sadd.s32 $0x1, s3  }
0x5a: {  	p0 =	sne.s32 s3, s12  }
.Ltmp2:
0x5b: {  	[bflag:$0x0] =	sbarrier.arrive $0xFFFF;
	(pc) =	sbr.rel @p0 .LBB2_1-.Ltmp2, $4  }
0x5c: {  	[hbm:s11], [sflag:s9] =	dma.local [spmem:s13], $0x1400  }
0x5d: {  	_ =	swait.ge [sflag:s14], $0x1400  }
0x5e: {  	[sflag:s14] =	ssyncset.done $0x0  }
0x5f: {  	[sflag:s14] =	ssyncadd.s32 $0xFFFFEC00  }
0x60: {  	_ =	sfence.sel $0x180000  }
0x61: {  	[bflag:$0x0] =	sbarrier.arrive $0xFFFF  }
0x62: {  	p0 =	sne.s32 s1, $0x0;
	_ =	strace $0x9000004A  }
0x63: {  	s0 =	sadd.s32 @!p0 $0x100000, s0;
	[bflag:$0x2] =	sbarrier.arrive $0xFFFF  }
0x64: {  	[sflag:s0] =	ssyncadd.tile.s32 @!p0 $0x1;
	_ =	shalt  }
.Lfunc_end2:
_tile_overlayer_lowered:
.L_overlay_start_2:
0x65: {  	(tag) =	ssettag $0x2  }
0x66: {  	s0 =	rddreg [dreg:$0x0];
	s2 =	stileid.u32  }
0x67: {  	s1 =	rddreg [dreg:$0x1];
	p0 =	sne.s32 s2, $0x0  }
0x68: {  	s3 =	rddreg [dreg:$0x2];
	[bflag:$0x3] =	sbarrier.arrive $0xFFFF;
	s2 =	simm.s32 @!p0 $0x1C03  }
0x69: {  	[timem:s3], [sflag:s2] =	dma.local @!p0 [hbm:s0], s1  }
0x6a: {  	s0 =	simm.s32 @!p0 $0x3  }
0x6b: {  	_ =	swait.ge @!p0 [sflag:s0], s1  }
0x6c: {  	s1 =	ssub.s32 @!p0 $0x0, s1;
	[sflag:s0] =	ssyncset.done @!p0 $0x0  }
0x6d: {  	[sflag:s0] =	ssyncadd.s32 @!p0 s1  }
0x6e: {  	[bflag:$0x3] =	sbarrier.arrive $0xFFFF  }
0x6f: {  	_ =	shalt  }

// kernel: kernel.5.cloned.1.call-start
scs
__scs_entry_jumppad:
0x0: {  	(pc) =	sbr.rel $0x88, $3  }
0x1: {  	(tag) =	ssettag $0x0;
	lr =	simm.s32 $0x1  }
0x2: {  	[smem:$0x3F89] =	sst lr;
	_ =	strace $0xD0000000  }
0x3: {  	_ = 	snop  }
0x4: {  	_ = 	snop  }
0x5: {  	_ = 	snop  }
0x6: {  	_ = 	snop  }
0x7: {  	_ = 	snop  }
__scs_overlays_trampoline_lowered:
0x8: {  	[smem:$0x3F98] =	sst s0  }
0x9: {  	[smem:$0x3F99] =	sst s1  }
0xa: {  	[smem:$0x3F9A] =	sst s2  }
0xb: {  	[smem:$0x3F9B] =	sst s3  }
0xc: {  	[smem:$0x3F9C] =	sst s4  }
0xd: {  	[smem:$0x3F9D] =	sst s5  }
0xe: {  	[smem:$0x3F9E] =	sst s6  }
0xf: {  	[smem:$0x3F9F] =	sst s7  }
0x10: {  	[smem:$0x3FA0] =	sst s8  }
0x11: {  	[smem:$0x3FA1] =	sst s9;
	s0 =	simm.s32 @!p0 $0x0  }
0x12: {  	s1 =	sld [smem:$0x3F87];
	s0 =	simm.s32 @p0 $0x1  }
0x13: {  	[smem:$0x3FA2] =	sst s0;
	s0 =	simm.s32 @!p1 $0x0  }
0x14: {  	s2 =	sld [smem:$0x3F86];
	s0 =	simm.s32 @p1 $0x1  }
0x15: {  	[smem:$0x3FA3] =	sst s0;
	s0 =	simm.s32 @!p2 $0x0  }
0x16: {  	s3 =	sld [smem:$0x3FDB];
	s0 =	simm.s32 @p2 $0x1  }
0x17: {  	s4 =	simm.s32 $0x1BF5;
	[smem:$0x3FA5] =	sst s0  }
0x18: {  	s0 =	sld [smem:$0x3F88];
	_ =	swait.ge [sflag:s4], $0x0  }
0x19: {  	s7 =	sld [smem:$0x3F89]  }
0x1a: {  	s8 =	sadd.s32 $0xFFFFE003, lr  }
0x1b: {  	s9 =	sadd.s32 $0xFFFFFEF7, lr;
	s5 =	simm.s32 $0xFFFFFFFF;
	p2 =	slt.u32 s8, $0xFFFFF086  }
0x1c: {  	p1 =	slt.u32 s9, $0xF7A;
	s5 =	simm.s32 @!p2 $0x0  }
0x1d: {  	s5 =	simm.s32 @p1 $0x1;
	p0 =	seq.s32 s7, s2  }
0x1e: {  	s7 =	smul.u32 @!p0 $0xF7A, s2;
	p2 =	seq.s32 @!p0 s5, $0x0  }
0x1f: {  	s9 =	smul.u32 $0xF7A, s1;
	s8 =	simm.s32 @!p0 $0x1BF5;
	p2 =	por !p2, p0  }
0x20: {  	[sflag:s8] =	ssyncset.s32 @!p0 $0xFFFFF086;
	s6 =	sadd.s32 @!p0 s3, s7;
	s7 =	simm.s32 @!p0 $0x108  }
0x21: {  	s3 =	sadd.s32 s3, s9;
	s6 =	sadd.s32 @!p0 $0x88, s6;
	s7 =	simm.s32 @p2 $0x1082  }
0x22: {  	[simem:s7], [sflag:s8] =	dma.local @!p0 [hbm:s6], $0xF7A  }
0x23: {  	s9 =	sor.u32 $0xD0000000, s2;
	s6 =	simm.s32 $0x108;
	_ =	swait.ge @!p0 [sflag:s8], $0x0  }
0x24: {  	s3 =	sadd.s32 $0x88, s3;
	s6 =	simm.s32 @!p1 $0x1082;
	[sflag:s4] =	ssyncset.s32 $0xFFFFF086  }
0x25: {  	[simem:s6], [sflag:s4] =	dma.local [hbm:s3], $0xF7A  }
0x26: {  	[smem:$0x3F89] =	sst s1;
	(tag) =	ssettag s2;
	_ =	strace s9  }
0x27: {  	s1 =	sld [smem:$0x3F99]  }
0x28: {  	s2 =	sld [smem:$0x3F9A]  }
0x29: {  	s4 =	sld [smem:$0x3F9C]  }
0x2a: {  	p0 =	seq.s32 s5, $0x0;
	s5 =	sld [smem:$0x3F9D]  }
0x2b: {  	s6 =	sld [smem:$0x3F9E]  }
0x2c: {  	s7 =	sld [smem:$0x3F9F]  }
0x2d: {  	s3 =	simm.s32 $0x108;
	s8 =	sld [smem:$0x3FA0]  }
0x2e: {  	s3 =	simm.s32 @!p0 $0x1082;
	s9 =	sld [smem:$0x3FA1]  }
0x2f: {  	lr =	sadd.s32 s0, s3;
	s0 =	sld [smem:$0x3F98]  }
0x30: {  	s3 =	sld [smem:$0x3F9B]  }
0x31: {  	[smem:$0x3FA4] =	sst s10  }
0x32: {  	s10 =	sld [smem:$0x3FA2];
	_ =	sdelay $0x3  }
0x33: {  	p0 =	seq.s32 s10, $0x1;
	s10 =	sld [smem:$0x3FA4];
	_ =	sdelay $0x3  }
0x34: {  	[smem:$0x3FA4] =	sst s10  }
0x35: {  	s10 =	sld [smem:$0x3FA3];
	_ =	sdelay $0x3  }
0x36: {  	p1 =	seq.s32 s10, $0x1;
	s10 =	sld [smem:$0x3FA4];
	_ =	sdelay $0x3  }
0x37: {  	[smem:$0x3FA4] =	sst s10  }
0x38: {  	s10 =	sld [smem:$0x3FA5]  }
0x39: {  	_ = 	snop;
	(pc) =	sbr.ind lr, $3  }
0x3a: {  	_ = 	snop  }
0x3b: {  	_ = 	snop  }
0x3c: {  	p2 =	seq.s32 s10, $0x1;
	s10 =	sld [smem:$0x3FA4]  }
0x3d: {  	_ =	shalt  }
0x3e: {  	_ =	shalt  }
0x3f: {  	_ =	shalt  }
0x40: {  	_ =	shalt  }
0x41: {  	_ =	shalt  }
0x42: {  	_ =	shalt  }
0x43: {  	_ =	shalt  }
0x44: {  	_ =	shalt  }
0x45: {  	_ =	shalt  }
0x46: {  	_ =	shalt  }
0x47: {  	_ =	shalt  }
0x48: {  	_ =	shalt  }
0x49: {  	_ =	shalt  }
0x4a: {  	_ =	shalt  }
0x4b: {  	_ =	shalt  }
0x4c: {  	_ =	shalt  }
0x4d: {  	_ =	shalt  }
0x4e: {  	_ =	shalt  }
0x4f: {  	_ =	shalt  }
0x50: {  	_ =	shalt  }
0x51: {  	_ =	shalt  }
0x52: {  	_ =	shalt  }
0x53: {  	_ =	shalt  }
0x54: {  	_ =	shalt  }
0x55: {  	_ =	shalt  }
0x56: {  	_ =	shalt  }
0x57: {  	_ =	shalt  }
0x58: {  	_ =	shalt  }
0x59: {  	_ =	shalt  }
0x5a: {  	_ =	shalt  }
0x5b: {  	_ =	shalt  }
0x5c: {  	_ =	shalt  }
0x5d: {  	_ =	shalt  }
0x5e: {  	_ =	shalt  }
0x5f: {  	_ =	shalt  }
0x60: {  	_ =	shalt  }
0x61: {  	_ =	shalt  }
0x62: {  	_ =	shalt  }
0x63: {  	_ =	shalt  }
0x64: {  	_ =	shalt  }
0x65: {  	_ =	shalt  }
0x66: {  	_ =	shalt  }
0x67: {  	_ =	shalt  }
0x68: {  	_ =	shalt  }
0x69: {  	_ =	shalt  }
0x6a: {  	_ =	shalt  }
0x6b: {  	_ =	shalt  }
0x6c: {  	_ =	shalt  }
0x6d: {  	_ =	shalt  }
0x6e: {  	_ =	shalt  }
0x6f: {  	_ =	shalt  }
0x70: {  	_ =	shalt  }
0x71: {  	_ =	shalt  }
0x72: {  	_ =	shalt  }
0x73: {  	_ =	shalt  }
0x74: {  	_ =	shalt  }
0x75: {  	_ =	shalt  }
0x76: {  	_ =	shalt  }
0x77: {  	_ =	shalt  }
0x78: {  	_ =	shalt  }
0x79: {  	_ =	shalt  }
0x7a: {  	_ =	shalt  }
0x7b: {  	_ =	shalt  }
0x7c: {  	_ =	shalt  }
0x7d: {  	_ =	shalt  }
0x7e: {  	_ =	shalt  }
0x7f: {  	_ =	shalt  }
0x80: {  	_ =	shalt  }
0x81: {  	_ =	shalt  }
0x82: {  	_ =	shalt  }
0x83: {  	_ =	shalt  }
0x84: {  	_ =	shalt  }
0x85: {  	_ =	shalt  }
0x86: {  	_ =	shalt  }
0x87: {  	_ =	shalt  }
.Lfunc_end0:
.L_simem_size_0:
called_computation.1_lowered:
.L_overlay_start_0:
0x88: {  	s2 =	sld [smem:$0x3FD9]  }
0x89: {  	s3 =	sld [smem:$0x3FFE];
	_ =	sdelay $0x1  }
0x8a: {  	s1 =	srdreg.scid  }
0x8b: {  	s0 =	sand.u32 $0x1, s1  }
0x8c: {  	s17 =	sshll.u32 s0, $0xA;
	s2 =	sadd.s32 s3, s2  }
0x8d: {  	s2 =	sadd.s32 s2, s17  }
0x8e: {  	[smem:$0x3FB0] =	sst s2  }
0x8f: {  	_ = 	snop  }
0x90: {  	s2 =	sld [smem:$0x3FD0];
	(tm) =	ssettm $0x1  }
0x91: {  	s18 =	sld [smem:$0x3FFB];
	_ =	sdelay $0x3  }
0x92: {  	_ =	strace s18  }
0x93: {  	s3 =	sld [smem:$0x3FFC];
	_ =	sdelay $0x3  }
0x94: {  	_ =	strace s3  }
0x95: {  	s3 =	sld [smem:$0x3FFD];
	_ =	sdelay $0x3  }
0x96: {  	_ =	strace s3  }
0x97: {  	_ =	strace $0x8FFFFFFF  }
0x98: {  	s19 =	sld [smem:$0x3FDB];
	_ =	sdelay $0x1  }
0x99: {  	s4 =	simm.s32 $_scs_section_size  }
0x9a: {  	s5 =	simm.s32 $_size__tile_overlayer_lowered;
	s6 =	simm.s32 $_tile_overlayer_lowered  }
0x9b: {  	s22 =	simm.s32 $0x1BFF;
	s21 =	sshll.u32 s6, $0x1;
	s3 =	sadd.s32 s4, s19  }
0x9c: {  	s7 =	simm.s32 $0x0;
	s20 =	sshll.u32 s5, $0x1;
	s5 =	sadd.s32 s21, s3  }
0x9d: {  	[timem:s7], [sflag:s22] =	dma.local [hbm:s5], s20  }
0x9e: {  	_ =	swait.ge [sflag:s22], s20  }
0x9f: {  	s4 =	ssub.s32 $0x0, s20;
	[sflag:s22] =	ssyncset.done $0x0  }
0xa0: {  	[sflag:s22] =	ssyncadd.s32 s4;
	_ =	sdelay $0x1  }
0xa1: {  	s23 =	simm.s32 $0x1B8B  }
0xa2: {  	_ =	swait.ge [sflag:s23], $0x1  }
0xa3: {  	[sflag:s23] =	ssyncset.done $0x0  }
0xa4: {  	s25 =	simm.s32 $0x1B8E;
	s24 =	sld [smem:$0x3FFE];
	[sflag:s23] =	ssyncadd.s32 $0xFFFFFFFF  }
0xa5: {  	s26 =	simm.s32 $execute0_lowered;
	[smem:$0x3FD2] =	sst s25  }
0xa6: {  	s5 =	sshll.u32 s26, $0x1;
	_ =	strace $0x80000046;
	[dreg:$0x1] =	wrdreg $0xFFFFFFFF  }
0xa7: {  	s28 =	simm.s32 $_size_execute0_lowered;
	s3 =	sadd.s32 s3, s5;
	[dreg:$0x0] =	wrdreg $0x0  }
0xa8: {  	s5 =	sshll.u32 s28, $0x1;
	[dreg:$0x2] =	wrdreg s3  }
0xa9: {  	[dreg:$0x3] =	wrdreg s5  }
0xaa: {  	[dreg:$0x4] =	wrdreg $0xC0  }
0xab: {  	_ =	task [dreg:s7], $0x5FFFF  }
0xac: {  	[dreg:$0x1] =	wrdreg $0xFFFFFFFF  }
0xad: {  	[dreg:$0x0] =	wrdreg $0x60  }
0xae: {  	[dreg:$0x2] =	wrdreg s24  }
0xaf: {  	[dreg:$0x3] =	wrdreg s2  }
0xb0: {  	[dreg:$0x4] =	wrdreg $0x4100  }
0xb1: {  	[dreg:$0x5] =	wrdreg $0x9  }
0xb2: {  	_ =	task.clear_ibuf [dreg:s7], $0x6FFFF;
	_ =	strace $0x90000046  }
0xb3: {  	s29 =	simm.s32 $0x9;
	_ =	strace $0x80000048  }
0xb4: {  	_ =	swait.ge [sflag:s29], $0x1  }
0xb5: {  	[sflag:s29] =	ssyncadd.s32 $0xFFFFFFFF  }
0xb6: {  	_ =	strace $0x90000048  }
0xb7: {  	_ =	sfence  }
0xb8: {  	s30 =	sld [smem:$0x0];
	_ =	sdelay $0x2  }
0xb9: {  	s31 =	sshll.u32 s1, $0xD;
	s1 =	sshrl.u32 s1, $0x2  }
0xba: {  	s3 =	sand.u32 $0x4000, s31;
	s1 =	sadd.s32 s1, s30  }
0xbb: {  	s0 =	sor.u32 s3, s0;
	s1 =	sshll.u32 s1, $0x11  }
0xbc: {  	s0 =	sor.u32 s1, s0  }
0xbd: {  	s0 =	sadd.s32 $0x8F2B, s0  }
0xbe: {  	[sflag:s0] =	ssyncadd.remote.s32 $0x1  }
0xbf: {  	_ =	sfence.sel $0xFFFF  }
0xc0: {  	[dreg:$0x0] =	wrdreg $0xFFFFFFFF;
	(pc) =	sbr.abs _section_cstart, $3  }
0xc1: {  	[dreg:$0x1] =	wrdreg $0xFFFFFFFF  }
0xc2: {  	_ =	task.clear_ibuf [dreg:s7], $0x2FFFF;
	_ =	strace $0x9FFFFFFF  }
0xc3: {  	(tm) =	ssettm $0x7FFFFFFF  }
tec
execute0_lowered:
.L_overlay_start_1:
0x0: {  	(tag) =	ssettag $0x1  }
0x1: {  	s6 =	rddreg [dreg:$0x0]  }
0x2: {  	s2 =	rddreg [dreg:$0x1]  }
0x3: {  	s3 =	rddreg [dreg:$0x2]  }
0x4: {  	s0 =	srdreg.scid;
	s1 =	rddreg [dreg:$0x3]  }
0x5: {  	s4 =	simm.s32 $0x0;
	s13 =	simm.s32 $0x50;
	s5 =	sand.u32 $0x1, s0  }
0x6: {  	s14 =	simm.s32 $0xA0;
	s0 =	stileid.u32;
	s7 =	smul.u32 $0x27100, s5  }
0x7: {  	s15 =	simm.s32 $0xF0;
	s16 =	simm.s32 $0x140;
	s8 =	smul.u32 $0x2710, s0  }
0x8: {  	s17 =	simm.s32 $0x0;
	[smem:$0x7FF] =	sst s4;
	s9 =	smul.u32 $0x1400, s0  }
0x9: {  	s10 =	smul.u32 $0x14000, s5;
	_ =	strace $0x80000047;
	s30 =	ssub.s32 $0x2, s5  }
0xa: {  	s5 =	sadd.s32 $0x10800, s6;
	s11 =	sshll.u32 s0, $0x6;
	s31 =	sshrl.u32 s30, $0x1  }
0xb: {  	s11 =	sor.u32 $0x1C01, s11;
	s7 =	sadd.s32 s8, s7;
	s26 =	sadd.s32 s9, s10  }
0xc: {  	s12 =	sadd.s32 s9, s3;
	s9 =	simm.s32 $0x190;
	s10 =	simm.s32 $0x1  }
0xd: {  	s7 =	sshrl.u32 s7, $0x3;
	s29 =	sshrl.u32 s26, $0x3;
	s12 =	sshrl.u32 s12, $0x3  }
0xe: {  	s28 =	sadd.s32 s7, s6;
	s6 =	sadd.s32 s29, s6;
	s7 =	ssub.s32 s30, s31  }
0xf: {  	s6 =	sadd.s32 $0x10A00, s6;
	s7 =	smax.u32 s7, $0x1;
	s8 =	sadd.s32 $0x6A00, s28  }
.LBB2_1:
0x10: {  	[tilespmem:s9], [sflag:$0x1] =	stream.linear.gather [hbm4b:s5+s4], $0x280, $0x38;
	[tilespmem:$0x1810] =	vst v63  }
0x11: {  	_ =	swait.ge [sflag:s10], $0x280  }
0x12: {  	[sflag:s10] =	ssyncset.done $0x0  }
0x13: {  	[sflag:s10] =	ssyncadd.s32 $0xFFFFFD80  }
0x14: {  	[spmem:s12], [sflag:s11] =	dma.local [hbm:s2], $0x280  }
0x15: {  	_ =	swait.ge [sflag:s10], $0x280  }
0x16: {  	[sflag:s10] =	ssyncset.done $0x0  }
0x17: {  	[sflag:s10] =	ssyncadd.s32 $0xFFFFFD80  }
0x18: {  	s18 =	sadd.s32 $0x0, s8;
	[bflag:$0x0] =	sbarrier.arrive $0xFFFF  }
0x19: {  	[tilespmem:s4], [sflag:$0x1] =	stream.linear.gather [hbm4b:s18+s4], $0x190, $0x38;
	[tilespmem:$0x1810] =	vst v63  }
0x1a: {  	_ =	swait.ge [sflag:s10], $0x190  }
0x1b: {  	[sflag:s10] =	ssyncset.done $0x0  }
0x1c: {  	[sflag:s10] =	ssyncadd.s32 $0xFFFFFE70  }
0x1d: {  	[spmem:s3] =	stream.indirect.scatter.add.f32 [tilespmem:s9], [sflag:$0x1], $0x8, s4, s13, $0xb8;
	[tilespmem:$0x1810] =	vst v63  }
0x1e: {  	_ =	swait.ge [sflag:s10], $0x280  }
0x1f: {  	[sflag:s10] =	ssyncset.done $0x0  }
0x20: {  	[sflag:s10] =	ssyncadd.s32 $0xFFFFFD80  }
0x21: {  	[spmem:s3] =	stream.indirect.scatter.add.f32 [tilespmem:s9], [sflag:$0x1], $0x8, s13, s13, $0xb8;
	[tilespmem:$0x1810] =	vst v63  }
0x22: {  	_ =	swait.ge [sflag:s10], $0x280  }
0x23: {  	[sflag:s10] =	ssyncset.done $0x0  }
0x24: {  	[sflag:s10] =	ssyncadd.s32 $0xFFFFFD80  }
0x25: {  	[spmem:s3] =	stream.indirect.scatter.add.f32 [tilespmem:s9], [sflag:$0x1], $0x8, s14, s13, $0xb8;
	[tilespmem:$0x1810] =	vst v63  }
0x26: {  	_ =	swait.ge [sflag:s10], $0x280  }
0x27: {  	[sflag:s10] =	ssyncset.done $0x0  }
0x28: {  	[sflag:s10] =	ssyncadd.s32 $0xFFFFFD80  }
0x29: {  	[spmem:s3] =	stream.indirect.scatter.add.f32 [tilespmem:s9], [sflag:$0x1], $0x8, s15, s13, $0xb8;
	[tilespmem:$0x1810] =	vst v63  }
0x2a: {  	_ =	swait.ge [sflag:s10], $0x280  }
0x2b: {  	[sflag:s10] =	ssyncset.done $0x0  }
0x2c: {  	[sflag:s10] =	ssyncadd.s32 $0xFFFFFD80  }
0x2d: {  	[spmem:s3] =	stream.indirect.scatter.add.f32 [tilespmem:s9], [sflag:$0x1], $0x8, s16, s13, $0xb8;
	[tilespmem:$0x1810] =	vst v63  }
0x2e: {  	_ =	swait.ge [sflag:s10], $0x280  }
0x2f: {  	s19 =	simm.s32 $0x64;
	s18 =	simm.s32 $0x32;
	[sflag:s10] =	ssyncset.done $0x0  }
.LBB2_2:
0x30: {  	s20 =	sadd.s32 s18, s8  }
0x31: {  	[sflag:s10] =	ssyncadd.s32 $0xFFFFFD80;
	s18 =	smov.u32 s19;
	s21 =	sadd.s32 $0x32, s19  }
0x32: {  	[tilespmem:s4], [sflag:$0x1] =	stream.linear.gather [hbm4b:s20+s4], $0x190, $0x38;
	[tilespmem:$0x1810] =	vst v63  }
0x33: {  	p0 =	sne.s32 s19, $0x4B0;
	_ =	swait.ge [sflag:s10], $0x190  }
0x34: {  	[sflag:s10] =	ssyncset.done $0x0  }
0x35: {  	[sflag:s10] =	ssyncadd.s32 $0xFFFFFE70  }
0x36: {  	[spmem:s3] =	stream.indirect.scatter.add.f32 [tilespmem:s9], [sflag:$0x1], $0x8, s4, s13, $0xb8;
	[tilespmem:$0x1810] =	vst v63  }
0x37: {  	_ =	swait.ge [sflag:s10], $0x280  }
0x38: {  	[sflag:s10] =	ssyncset.done $0x0  }
0x39: {  	[sflag:s10] =	ssyncadd.s32 $0xFFFFFD80  }
0x3a: {  	[spmem:s3] =	stream.indirect.scatter.add.f32 [tilespmem:s9], [sflag:$0x1], $0x8, s13, s13, $0xb8;
	[tilespmem:$0x1810] =	vst v63  }
0x3b: {  	_ =	swait.ge [sflag:s10], $0x280  }
0x3c: {  	[sflag:s10] =	ssyncset.done $0x0  }
0x3d: {  	[sflag:s10] =	ssyncadd.s32 $0xFFFFFD80  }
0x3e: {  	[spmem:s3] =	stream.indirect.scatter.add.f32 [tilespmem:s9], [sflag:$0x1], $0x8, s14, s13, $0xb8;
	[tilespmem:$0x1810] =	vst v63  }
0x3f: {  	_ =	swait.ge [sflag:s10], $0x280  }
0x40: {  	[sflag:s10] =	ssyncset.done $0x0  }
0x41: {  	[sflag:s10] =	ssyncadd.s32 $0xFFFFFD80  }
0x42: {  	[spmem:s3] =	stream.indirect.scatter.add.f32 [tilespmem:s9], [sflag:$0x1], $0x8, s15, s13, $0xb8;
	[tilespmem:$0x1810] =	vst v63  }
0x43: {  	_ =	swait.ge [sflag:s10], $0x280  }
.Ltmp0:
0x44: {  	[sflag:s10] =	ssyncset.done $0x0;
	(pc) =	sbr.rel @p0 .LBB2_2-.Ltmp0, $4  }
0x45: {  	[sflag:s10] =	ssyncadd.s32 $0xFFFFFD80  }
0x46: {  	[spmem:s3] =	stream.indirect.scatter.add.f32 [tilespmem:s9], [sflag:$0x1], $0x8, s16, s13, $0xb8;
	[tilespmem:$0x1810] =	vst v63  }
0x47: {  	_ =	swait.ge [sflag:s10], $0x280  }
0x48: {  	s19 =	smov.u32 s21;
	[sflag:s10] =	ssyncset.done $0x0  }
0x49: {  	s18 =	sadd.s32 s18, s8;
	[sflag:s10] =	ssyncadd.s32 $0xFFFFFD80  }
0x4a: {  	[tilespmem:s4], [sflag:$0x1] =	stream.linear.gather [hbm4b:s18+s4], $0x190, $0x38;
	[tilespmem:$0x1810] =	vst v63  }
0x4b: {  	_ =	swait.ge [sflag:s10], $0x190  }
0x4c: {  	[sflag:s10] =	ssyncset.done $0x0  }
0x4d: {  	[sflag:s10] =	ssyncadd.s32 $0xFFFFFE70  }
0x4e: {  	[spmem:s3] =	stream.indirect.scatter.add.f32 [tilespmem:s9], [sflag:$0x1], $0x8, s4, s13, $0xb8;
	[tilespmem:$0x1810] =	vst v63  }
0x4f: {  	_ =	swait.ge [sflag:s10], $0x280  }
0x50: {  	[sflag:s10] =	ssyncset.done $0x0  }
0x51: {  	[sflag:s10] =	ssyncadd.s32 $0xFFFFFD80  }
0x52: {  	[spmem:s3] =	stream.indirect.scatter.add.f32 [tilespmem:s9], [sflag:$0x1], $0x8, s13, s13, $0xb8;
	[tilespmem:$0x1810] =	vst v63  }
0x53: {  	_ =	swait.ge [sflag:s10], $0x280  }
0x54: {  	[sflag:s10] =	ssyncset.done $0x0  }
0x55: {  	[sflag:s10] =	ssyncadd.s32 $0xFFFFFD80  }
0x56: {  	[spmem:s3] =	stream.indirect.scatter.add.f32 [tilespmem:s9], [sflag:$0x1], $0x8, s14, s13, $0xb8;
	[tilespmem:$0x1810] =	vst v63  }
0x57: {  	_ =	swait.ge [sflag:s10], $0x280  }
0x58: {  	[sflag:s10] =	ssyncset.done $0x0  }
0x59: {  	[sflag:s10] =	ssyncadd.s32 $0xFFFFFD80  }
0x5a: {  	[spmem:s3] =	stream.indirect.scatter.add.f32 [tilespmem:s9], [sflag:$0x1], $0x8, s15, s13, $0xb8;
	[tilespmem:$0x1810] =	vst v63  }
0x5b: {  	_ =	swait.ge [sflag:s10], $0x280  }
0x5c: {  	[sflag:s10] =	ssyncset.done $0x0  }
0x5d: {  	[sflag:s10] =	ssyncadd.s32 $0xFFFFFD80  }
0x5e: {  	[spmem:s3] =	stream.indirect.scatter.add.f32 [tilespmem:s9], [sflag:$0x1], $0x8, s16, s13, $0xb8;
	[tilespmem:$0x1810] =	vst v63  }
0x5f: {  	_ =	swait.ge [sflag:s10], $0x280  }
0x60: {  	s17 =	sadd.s32 $0x1, s17;
	[sflag:s10] =	ssyncset.done $0x0  }
0x61: {  	p0 =	sne.s32 s17, s7;
	[sflag:s10] =	ssyncadd.s32 $0xFFFFFD80  }
.Ltmp1:
0x62: {  	[bflag:$0x0] =	sbarrier.arrive $0xFFFF;
	(pc) =	sbr.rel @p0 .LBB2_1-.Ltmp1, $4  }
0x63: {  	[hbm:s6], [sflag:s11] =	dma.local [spmem:s12], $0x280  }
0x64: {  	_ =	swait.ge [sflag:s10], $0x280  }
0x65: {  	[sflag:s10] =	ssyncset.done $0x0  }
0x66: {  	[sflag:s10] =	ssyncadd.s32 $0xFFFFFD80  }
0x67: {  	_ =	sfence.sel $0x180000  }
0x68: {  	[bflag:$0x0] =	sbarrier.arrive $0xFFFF  }
0x69: {  	p0 =	sne.s32 s0, $0x0;
	_ =	strace $0x90000047  }
0x6a: {  	s0 =	sadd.s32 @!p0 $0x100000, s1;
	[bflag:$0x2] =	sbarrier.arrive $0xFFFF  }
0x6b: {  	[sflag:s0] =	ssyncadd.tile.s32 @!p0 $0x1;
	_ =	shalt  }
.Lfunc_end2:
_tile_overlayer_lowered:
.L_overlay_start_2:
0x6c: {  	(tag) =	ssettag $0x2  }
0x6d: {  	s0 =	rddreg [dreg:$0x0];
	s2 =	stileid.u32  }
0x6e: {  	s1 =	rddreg [dreg:$0x1];
	p0 =	sne.s32 s2, $0x0  }
0x6f: {  	s3 =	rddreg [dreg:$0x2];
	[bflag:$0x3] =	sbarrier.arrive $0xFFFF;
	s2 =	simm.s32 @!p0 $0x1C01  }
0x70: {  	[timem:s3], [sflag:s2] =	dma.local @!p0 [hbm:s0], s1  }
0x71: {  	s0 =	simm.s32 @!p0 $0x1  }
0x72: {  	_ =	swait.ge @!p0 [sflag:s0], s1  }
0x73: {  	s1 =	ssub.s32 @!p0 $0x0, s1;
	[sflag:s0] =	ssyncset.done @!p0 $0x0  }
0x74: {  	[sflag:s0] =	ssyncadd.s32 @!p0 s1  }
0x75: {  	[bflag:$0x3] =	sbarrier.arrive $0xFFFF  }
0x76: {  	_ =	shalt  }

</sc_bundles>
